<compile_context>
chip_gen: v7x
topology: tpu7x:2x2x1
jax: 0.10.2.dev20260603
libtpu: 0.0.44.dev20260713+nightly
codegen_flags: <defaults>
</compile_context>

<pallas_src>
import jax
import jax.numpy as jnp
from jax import lax
from jax.experimental import pallas as pl
from jax.experimental.pallas import tpu as pltpu
from jax.experimental.pallas import tpu_sc as plsc

_EMBED = 16
_NC = 2
_NS = 16
_NW = _NC * _NS
_CHUNK = 128


def _sc_gather_dot(user_emb, book_emb, ub8, bb8, uidx, bidx,
                   partials, ubg, bbg,
                   idxu, idxb, qidxu, qidxb, urows, brows, ub8r, bb8r,
                   ubv, bbv, accv, sem_rows, sem_bias):
    batch = uidx.shape[0]
    bpw = batch // _NW
    nchunk = bpw // _CHUNK
    wid = lax.axis_index("s") * _NC + lax.axis_index("c")
    base = wid * bpw

    pltpu.sync_copy(uidx.at[pl.ds(base, bpw)], idxu)
    pltpu.sync_copy(bidx.at[pl.ds(base, bpw)], idxb)

    def qbody(j, carry):
        sl = pl.ds(j * 16, 16)
        qidxu[sl] = lax.shift_right_logical(idxu[sl], 3)
        qidxb[sl] = lax.shift_right_logical(idxb[sl], 3)
        return carry

    lax.fori_loop(0, bpw // 16, qbody, 0)

    copies = []
    for j in range(nchunk):
        sl = pl.ds(j * _CHUNK, _CHUNK)
        copies.append(pltpu.async_copy(user_emb.at[idxu.at[sl]], urows.at[sl], sem_rows))
        copies.append(pltpu.async_copy(book_emb.at[idxb.at[sl]], brows.at[sl], sem_rows))
        copies.append(pltpu.async_copy(ub8.at[qidxu.at[sl]], ub8r.at[sl], sem_bias))
        copies.append(pltpu.async_copy(bb8.at[qidxb.at[sl]], bb8r.at[sl], sem_bias))
    for c in copies:
        c.wait()

    def bias_sel(j, carry):
        sl = pl.ds(j * 16, 16)
        rows = jax.lax.iota(jnp.int32, 16) + j * 16
        ubv[sl] = plsc.load_gather(ub8r, [rows, idxu[sl] & 7])
        bbv[sl] = plsc.load_gather(bb8r, [rows, idxb[sl] & 7])
        return carry

    lax.fori_loop(0, bpw // 16, bias_sel, 0)

    pltpu.sync_copy(ubv, ubg.at[wid])
    pltpu.sync_copy(bbv, bbg.at[wid])

    def dot_body(i, acc):
        return acc + urows[i] * brows[i]

    acc = lax.fori_loop(0, bpw, dot_body, jnp.zeros((_EMBED,), jnp.float32))
    accv[...] = acc
    pltpu.sync_copy(accv, partials.at[wid])


def _finish(p_ref, ub_ref, bb_ref, o_ref):
    s = jnp.sum(p_ref[...])
    x = s + ub_ref[...] + bb_ref[...]
    o_ref[...] = 1.0 / (1.0 + jnp.exp(-x))


def kernel(inputs, user_emb, user_bias, book_emb, book_bias):
    batch = inputs.shape[0]
    bpw = batch // _NW
    uidx = inputs[:, 0]
    bidx = inputs[:, 1]
    ub8 = user_bias.reshape(-1, 8)
    bb8 = book_bias.reshape(-1, 8)

    mesh = plsc.VectorSubcoreMesh(core_axis_name="c", subcore_axis_name="s")
    sc = pl.kernel(
        _sc_gather_dot,
        mesh=mesh,
        compiler_params=pltpu.CompilerParams(
            use_tc_tiling_on_sc=False, needs_layout_passes=False),
        out_type=[
            jax.ShapeDtypeStruct((_NW, _EMBED), jnp.float32),
            jax.ShapeDtypeStruct((_NW, bpw), jnp.float32),
            jax.ShapeDtypeStruct((_NW, bpw), jnp.float32),
        ],
        scratch_types=[
            pltpu.VMEM((bpw,), jnp.int32),
            pltpu.VMEM((bpw,), jnp.int32),
            pltpu.VMEM((bpw,), jnp.int32),
            pltpu.VMEM((bpw,), jnp.int32),
            pltpu.VMEM((bpw, _EMBED), jnp.float32),
            pltpu.VMEM((bpw, _EMBED), jnp.float32),
            pltpu.VMEM((bpw, 8), jnp.float32),
            pltpu.VMEM((bpw, 8), jnp.float32),
            pltpu.VMEM((bpw,), jnp.float32),
            pltpu.VMEM((bpw,), jnp.float32),
            pltpu.VMEM((_EMBED,), jnp.float32),
            pltpu.SemaphoreType.DMA,
            pltpu.SemaphoreType.DMA,
        ],
    )
    partials, ubg, bbg = sc(user_emb, book_emb, ub8, bb8, uidx, bidx)

    out = pl.pallas_call(
        _finish,
        out_shape=jax.ShapeDtypeStruct((_NW, bpw), jnp.float32),
    )(partials, ubg, bbg)
    return out.reshape(batch, 1)

# --- scband reference (transcript-rebuilt; emitter-appended) ---
"""Pipeline reference for scband-recommender-book-14276471291993 (READ-ONLY COPY).

The authoritative reference and input builder live on the scoring server;
editing this copy changes nothing except your own understanding.
"""

import jax, jax.numpy as jnp
import numpy as np

NUM_USERS = 1000000
NUM_BOOKS = 1000000
EMBED = 16
BATCH = 16384


def setup_inputs(seed: int = 0) -> dict:
    key = jax.random.key(seed)
    k1, k2, k3, k4, k5 = jax.random.split(key, 5)
    inputs = jax.random.randint(k1, (BATCH, 2), 0, NUM_USERS, dtype=jnp.int64 if jax.config.jax_enable_x64 else jnp.int32)
    user_emb = jax.random.normal(k2, (NUM_USERS, EMBED), dtype=jnp.float32) * 0.001
    user_bias = jax.random.normal(k3, (NUM_USERS, 1), dtype=jnp.float32) * 0.001
    book_emb = jax.random.normal(k4, (NUM_BOOKS, EMBED), dtype=jnp.float32) * 0.001
    book_bias = jax.random.normal(k5, (NUM_BOOKS, 1), dtype=jnp.float32) * 0.001
    return {"inputs": inputs, "user_emb": user_emb, "user_bias": user_bias, "book_emb": book_emb, "book_bias": book_bias}


def reference(inputs, user_emb, user_bias, book_emb, book_bias):
    # Faithful translation of RecommenderBook.call
    user_vector = jnp.take(user_emb, inputs[:, 0], axis=0)      # [B, E]
    ub = jnp.take(user_bias, inputs[:, 0], axis=0)               # [B, 1]
    book_vector = jnp.take(book_emb, inputs[:, 1], axis=0)       # [B, E]
    bb = jnp.take(book_bias, inputs[:, 1], axis=0)               # [B, 1]
    # tf.tensordot(user_vector, book_vector, 2) contracts BOTH axes -> scalar
    dot_user_book = jnp.tensordot(user_vector, book_vector, 2)   # scalar
    x = dot_user_book + ub + bb                                   # [B, 1]
    return jax.nn.sigmoid(x)

if __name__ == "__main__":
    import jax
    _d = setup_inputs()
    print(jax.jit(kernel)(*tuple(_d.values())))

</pallas_src>

<mosaic_0001>
#map = affine_map<(d0, d1) -> (0, 0)>
#map1 = affine_map<(d0, d1) -> (0)>
module attributes {stable_mosaic.version = 14 : i64} {
  func.func @_sc_gather_dot(%arg0: i32, %arg1: i32, %arg2: memref<1000000x16xf32, #tpu.memory_space<hbm>>, %arg3: memref<1000000x16xf32, #tpu.memory_space<hbm>>, %arg4: memref<125000x8xf32, #tpu.memory_space<hbm>>, %arg5: memref<125000x8xf32, #tpu.memory_space<hbm>>, %arg6: memref<16384xi32, #tpu.memory_space<hbm>>, %arg7: memref<16384xi32, #tpu.memory_space<hbm>>, %arg8: memref<32x16xf32, #tpu.memory_space<hbm>>, %arg9: memref<32x512xf32, #tpu.memory_space<hbm>>, %arg10: memref<32x512xf32, #tpu.memory_space<hbm>>, %arg11: memref<512xi32, #tpu.memory_space<vmem>>, %arg12: memref<512xi32, #tpu.memory_space<vmem>>, %arg13: memref<512xi32, #tpu.memory_space<vmem>>, %arg14: memref<512xi32, #tpu.memory_space<vmem>>, %arg15: memref<512x16xf32, #tpu.memory_space<vmem>>, %arg16: memref<512x16xf32, #tpu.memory_space<vmem>>, %arg17: memref<512x8xf32, #tpu.memory_space<vmem>>, %arg18: memref<512x8xf32, #tpu.memory_space<vmem>>, %arg19: memref<512xf32, #tpu.memory_space<vmem>>, %arg20: memref<512xf32, #tpu.memory_space<vmem>>, %arg21: memref<16xf32, #tpu.memory_space<vmem>>, %arg22: memref<!tpu.dma_semaphore, #tpu.memory_space<semaphore_mem>>, %arg23: memref<!tpu.dma_semaphore, #tpu.memory_space<semaphore_mem>>) attributes {dimension_semantics = [#tpu.dimension_semantics<core_parallel>, #tpu.dimension_semantics<subcore_parallel>], iteration_bounds = array<i64: 2, 16>, scalar_prefetch = 0 : i64, scratch_operands = 13 : i64, tpu.core_type = #tpu.core_type<sc_vector_subcore>, window_params = [{transform_indices = #map}, {transform_indices = #map}, {transform_indices = #map}, {transform_indices = #map}, {transform_indices = #map1}, {transform_indices = #map1}, {transform_indices = #map}, {transform_indices = #map}, {transform_indices = #map}]} {
    %mul3A = arith.constant 2 : i32
    %mul3A_0 = arith.muli %arg1, %mul3A : i32
    %add3A = arith.addi %mul3A_0, %arg0 : i32
    %mul3A_1 = arith.constant 512 : i32
    %mul3A_2 = arith.muli %add3A, %mul3A_1 : i32
    "tpu.region"() ({
      %run_scoped3A = tpu.sem_alloc : memref<!tpu.dma_semaphore, #tpu.memory_space<semaphore_mem>>
      %dma_start3A_276 = tpu.memref_slice %arg6[%mul3A_2] : memref<16384xi32, #tpu.memory_space<hbm>> -> memref<512xi32, #tpu.memory_space<hbm>>
      %dma_start3A_277 = tpu.memref_slice %arg6[%mul3A_2] : memref<16384xi32, #tpu.memory_space<hbm>> -> memref<512xi32, #tpu.memory_space<hbm>>
      tpu.enqueue_dma source(%dma_start3A_277 : memref<512xi32, #tpu.memory_space<hbm>>) target(%arg11 : memref<512xi32, #tpu.memory_space<vmem>>) target_semaphore(%run_scoped3A : memref<!tpu.dma_semaphore, #tpu.memory_space<semaphore_mem>>)
      %dma_wait3A_278 = tpu.memref_slice %arg6[%mul3A_2] : memref<16384xi32, #tpu.memory_space<hbm>> -> memref<512xi32, #tpu.memory_space<hbm>>
      %dma_wait3A_279 = tpu.memref_slice %arg6[%mul3A_2] : memref<16384xi32, #tpu.memory_space<hbm>> -> memref<512xi32, #tpu.memory_space<hbm>>
      tpu.wait_dma2 semaphore(%run_scoped3A : memref<!tpu.dma_semaphore, #tpu.memory_space<semaphore_mem>>) src(%dma_wait3A_279 : memref<512xi32, #tpu.memory_space<hbm>>) dst(%arg11 : memref<512xi32, #tpu.memory_space<vmem>>)
      tpu.yield
    }) : () -> ()
    "tpu.region"() ({
      %run_scoped3A = tpu.sem_alloc : memref<!tpu.dma_semaphore, #tpu.memory_space<semaphore_mem>>
      %dma_start3A_276 = tpu.memref_slice %arg7[%mul3A_2] : memref<16384xi32, #tpu.memory_space<hbm>> -> memref<512xi32, #tpu.memory_space<hbm>>
      %dma_start3A_277 = tpu.memref_slice %arg7[%mul3A_2] : memref<16384xi32, #tpu.memory_space<hbm>> -> memref<512xi32, #tpu.memory_space<hbm>>
      tpu.enqueue_dma source(%dma_start3A_277 : memref<512xi32, #tpu.memory_space<hbm>>) target(%arg12 : memref<512xi32, #tpu.memory_space<vmem>>) target_semaphore(%run_scoped3A : memref<!tpu.dma_semaphore, #tpu.memory_space<semaphore_mem>>)
      %dma_wait3A_278 = tpu.memref_slice %arg7[%mul3A_2] : memref<16384xi32, #tpu.memory_space<hbm>> -> memref<512xi32, #tpu.memory_space<hbm>>
      %dma_wait3A_279 = tpu.memref_slice %arg7[%mul3A_2] : memref<16384xi32, #tpu.memory_space<hbm>> -> memref<512xi32, #tpu.memory_space<hbm>>
      tpu.wait_dma2 semaphore(%run_scoped3A : memref<!tpu.dma_semaphore, #tpu.memory_space<semaphore_mem>>) src(%dma_wait3A_279 : memref<512xi32, #tpu.memory_space<hbm>>) dst(%arg12 : memref<512xi32, #tpu.memory_space<vmem>>)
      tpu.yield
    }) : () -> ()
    %scan3A = arith.constant 0 : i32
    %scan3A_3 = arith.constant 0 : i32
    %scan3A_4 = arith.constant 32 : i32
    %scan3A_5 = arith.addi %scan3A_3, %scan3A_4 : i32
    %scan3A_6 = arith.constant 1 : i32
    scf.for %scan3A_276 = %scan3A_3 to %scan3A_5 step %scan3A_6  : i32 {
      %mul3A_277 = arith.constant 16 : i32
      %mul3A_278 = arith.muli %scan3A_276, %mul3A_277 : i32
      %get3A = arith.index_cast %mul3A_278 : i32 to index
      %get3A_279 = tpu.vector_load %arg11[%get3A] {strides = array<i32>} : memref<512xi32, #tpu.memory_space<vmem>>, vector<16xi32>,
      %shift_right_logical3A = arith.constant 3 : i32
      %shift_right_logical3A_280 = vector.broadcast %shift_right_logical3A : i32 to vector<16xi32>
      %shift_right_logical3A_281 = arith.shrui %get3A_279, %shift_right_logical3A_280 : vector<16xi32>
      %swap3A_282 = arith.index_cast %mul3A_278 : i32 to index
      %swap3A_283 = tpu.vector_load %arg13[%swap3A_282] {strides = array<i32>} : memref<512xi32, #tpu.memory_space<vmem>>, vector<16xi32>,
      tpu.vector_store %arg13[%swap3A_282], %shift_right_logical3A_281 {strides = array<i32>} : memref<512xi32, #tpu.memory_space<vmem>>, vector<16xi32>,
      %get3A_284 = arith.index_cast %mul3A_278 : i32 to index
      %get3A_285 = tpu.vector_load %arg12[%get3A_284] {strides = array<i32>} : memref<512xi32, #tpu.memory_space<vmem>>, vector<16xi32>,
      %shift_right_logical3A_286 = arith.constant 3 : i32
      %shift_right_logical3A_287 = vector.broadcast %shift_right_logical3A_286 : i32 to vector<16xi32>
      %shift_right_logical3A_288 = arith.shrui %get3A_285, %shift_right_logical3A_287 : vector<16xi32>
      %swap3A_289 = arith.index_cast %mul3A_278 : i32 to index
      %swap3A_290 = tpu.vector_load %arg14[%swap3A_289] {strides = array<i32>} : memref<512xi32, #tpu.memory_space<vmem>>, vector<16xi32>,
      tpu.vector_store %arg14[%swap3A_289], %shift_right_logical3A_288 {strides = array<i32>} : memref<512xi32, #tpu.memory_space<vmem>>, vector<16xi32>,
    }
    %scan3A_7 = arith.constant 32 : i32
    %dma_start3A = arith.constant 0 : i32
    %dma_start3A_8 = arith.constant 0 : i32
    %dma_start3A_9 = tpu.memref_slice %arg15[%dma_start3A, %dma_start3A_8] : memref<512x16xf32, #tpu.memory_space<vmem>> -> memref<128x16xf32, #tpu.memory_space<vmem>>
    %dma_start3A_10 = arith.constant 0 : i32
    %dma_start3A_11 = tpu.memref_slice %arg11[%dma_start3A_10] : memref<512xi32, #tpu.memory_space<vmem>> -> memref<128xi32, #tpu.memory_space<vmem>>
    %dma_start3A_12 = arith.constant 0 : i32
    %dma_start3A_13 = arith.constant 0 : i32
    %dma_start3A_14 = tpu.memref_slice %arg2[%dma_start3A_12, %dma_start3A_13] : memref<1000000x16xf32, #tpu.memory_space<hbm>> -> memref<1000000x16xf32, #tpu.memory_space<hbm>>
    tpu.enqueue_indirect_dma source(%dma_start3A_14 : memref<1000000x16xf32, #tpu.memory_space<hbm>>) target(%dma_start3A_9 : memref<128x16xf32, #tpu.memory_space<vmem>>) offsets(%dma_start3A_11 : memref<128xi32, #tpu.memory_space<vmem>>) semaphore(%arg22 : memref<!tpu.dma_semaphore, #tpu.memory_space<semaphore_mem>>)
    %dma_start3A_15 = arith.constant 0 : i32
    %dma_start3A_16 = arith.constant 0 : i32
    %dma_start3A_17 = tpu.memref_slice %arg16[%dma_start3A_15, %dma_start3A_16] : memref<512x16xf32, #tpu.memory_space<vmem>> -> memref<128x16xf32, #tpu.memory_space<vmem>>
    %dma_start3A_18 = arith.constant 0 : i32
    %dma_start3A_19 = tpu.memref_slice %arg12[%dma_start3A_18] : memref<512xi32, #tpu.memory_space<vmem>> -> memref<128xi32, #tpu.memory_space<vmem>>
    %dma_start3A_20 = arith.constant 0 : i32
    %dma_start3A_21 = arith.constant 0 : i32
    %dma_start3A_22 = tpu.memref_slice %arg3[%dma_start3A_20, %dma_start3A_21] : memref<1000000x16xf32, #tpu.memory_space<hbm>> -> memref<1000000x16xf32, #tpu.memory_space<hbm>>
    tpu.enqueue_indirect_dma source(%dma_start3A_22 : memref<1000000x16xf32, #tpu.memory_space<hbm>>) target(%dma_start3A_17 : memref<128x16xf32, #tpu.memory_space<vmem>>) offsets(%dma_start3A_19 : memref<128xi32, #tpu.memory_space<vmem>>) semaphore(%arg22 : memref<!tpu.dma_semaphore, #tpu.memory_space<semaphore_mem>>)
    %dma_start3A_23 = arith.constant 0 : i32
    %dma_start3A_24 = arith.constant 0 : i32
    %dma_start3A_25 = tpu.memref_slice %arg17[%dma_start3A_23, %dma_start3A_24] : memref<512x8xf32, #tpu.memory_space<vmem>> -> memref<128x8xf32, #tpu.memory_space<vmem>>
    %dma_start3A_26 = arith.constant 0 : i32
    %dma_start3A_27 = tpu.memref_slice %arg13[%dma_start3A_26] : memref<512xi32, #tpu.memory_space<vmem>> -> memref<128xi32, #tpu.memory_space<vmem>>
    %dma_start3A_28 = arith.constant 0 : i32
    %dma_start3A_29 = arith.constant 0 : i32
    %dma_start3A_30 = tpu.memref_slice %arg4[%dma_start3A_28, %dma_start3A_29] : memref<125000x8xf32, #tpu.memory_space<hbm>> -> memref<125000x8xf32, #tpu.memory_space<hbm>>
    tpu.enqueue_indirect_dma source(%dma_start3A_30 : memref<125000x8xf32, #tpu.memory_space<hbm>>) target(%dma_start3A_25 : memref<128x8xf32, #tpu.memory_space<vmem>>) offsets(%dma_start3A_27 : memref<128xi32, #tpu.memory_space<vmem>>) semaphore(%arg23 : memref<!tpu.dma_semaphore, #tpu.memory_space<semaphore_mem>>)
    %dma_start3A_31 = arith.constant 0 : i32
    %dma_start3A_32 = arith.constant 0 : i32
    %dma_start3A_33 = tpu.memref_slice %arg18[%dma_start3A_31, %dma_start3A_32] : memref<512x8xf32, #tpu.memory_space<vmem>> -> memref<128x8xf32, #tpu.memory_space<vmem>>
    %dma_start3A_34 = arith.constant 0 : i32
    %dma_start3A_35 = tpu.memref_slice %arg14[%dma_start3A_34] : memref<512xi32, #tpu.memory_space<vmem>> -> memref<128xi32, #tpu.memory_space<vmem>>
    %dma_start3A_36 = arith.constant 0 : i32
    %dma_start3A_37 = arith.constant 0 : i32
    %dma_start3A_38 = tpu.memref_slice %arg5[%dma_start3A_36, %dma_start3A_37] : memref<125000x8xf32, #tpu.memory_space<hbm>> -> memref<125000x8xf32, #tpu.memory_space<hbm>>
    tpu.enqueue_indirect_dma source(%dma_start3A_38 : memref<125000x8xf32, #tpu.memory_space<hbm>>) target(%dma_start3A_33 : memref<128x8xf32, #tpu.memory_space<vmem>>) offsets(%dma_start3A_35 : memref<128xi32, #tpu.memory_space<vmem>>) semaphore(%arg23 : memref<!tpu.dma_semaphore, #tpu.memory_space<semaphore_mem>>)
    %dma_start3A_39 = arith.constant 128 : i32
    %dma_start3A_40 = arith.constant 0 : i32
    %dma_start3A_41 = tpu.memref_slice %arg15[%dma_start3A_39, %dma_start3A_40] : memref<512x16xf32, #tpu.memory_space<vmem>> -> memref<128x16xf32, #tpu.memory_space<vmem>>
    %dma_start3A_42 = arith.constant 128 : i32
    %dma_start3A_43 = tpu.memref_slice %arg11[%dma_start3A_42] : memref<512xi32, #tpu.memory_space<vmem>> -> memref<128xi32, #tpu.memory_space<vmem>>
    %dma_start3A_44 = arith.constant 0 : i32
    %dma_start3A_45 = arith.constant 0 : i32
    %dma_start3A_46 = tpu.memref_slice %arg2[%dma_start3A_44, %dma_start3A_45] : memref<1000000x16xf32, #tpu.memory_space<hbm>> -> memref<1000000x16xf32, #tpu.memory_space<hbm>>
    tpu.enqueue_indirect_dma source(%dma_start3A_46 : memref<1000000x16xf32, #tpu.memory_space<hbm>>) target(%dma_start3A_41 : memref<128x16xf32, #tpu.memory_space<vmem>>) offsets(%dma_start3A_43 : memref<128xi32, #tpu.memory_space<vmem>>) semaphore(%arg22 : memref<!tpu.dma_semaphore, #tpu.memory_space<semaphore_mem>>)
    %dma_start3A_47 = arith.constant 128 : i32
    %dma_start3A_48 = arith.constant 0 : i32
    %dma_start3A_49 = tpu.memref_slice %arg16[%dma_start3A_47, %dma_start3A_48] : memref<512x16xf32, #tpu.memory_space<vmem>> -> memref<128x16xf32, #tpu.memory_space<vmem>>
    %dma_start3A_50 = arith.constant 128 : i32
    %dma_start3A_51 = tpu.memref_slice %arg12[%dma_start3A_50] : memref<512xi32, #tpu.memory_space<vmem>> -> memref<128xi32, #tpu.memory_space<vmem>>
    %dma_start3A_52 = arith.constant 0 : i32
    %dma_start3A_53 = arith.constant 0 : i32
    %dma_start3A_54 = tpu.memref_slice %arg3[%dma_start3A_52, %dma_start3A_53] : memref<1000000x16xf32, #tpu.memory_space<hbm>> -> memref<1000000x16xf32, #tpu.memory_space<hbm>>
    tpu.enqueue_indirect_dma source(%dma_start3A_54 : memref<1000000x16xf32, #tpu.memory_space<hbm>>) target(%dma_start3A_49 : memref<128x16xf32, #tpu.memory_space<vmem>>) offsets(%dma_start3A_51 : memref<128xi32, #tpu.memory_space<vmem>>) semaphore(%arg22 : memref<!tpu.dma_semaphore, #tpu.memory_space<semaphore_mem>>)
    %dma_start3A_55 = arith.constant 128 : i32
    %dma_start3A_56 = arith.constant 0 : i32
    %dma_start3A_57 = tpu.memref_slice %arg17[%dma_start3A_55, %dma_start3A_56] : memref<512x8xf32, #tpu.memory_space<vmem>> -> memref<128x8xf32, #tpu.memory_space<vmem>>
    %dma_start3A_58 = arith.constant 128 : i32
    %dma_start3A_59 = tpu.memref_slice %arg13[%dma_start3A_58] : memref<512xi32, #tpu.memory_space<vmem>> -> memref<128xi32, #tpu.memory_space<vmem>>
    %dma_start3A_60 = arith.constant 0 : i32
    %dma_start3A_61 = arith.constant 0 : i32
    %dma_start3A_62 = tpu.memref_slice %arg4[%dma_start3A_60, %dma_start3A_61] : memref<125000x8xf32, #tpu.memory_space<hbm>> -> memref<125000x8xf32, #tpu.memory_space<hbm>>
    tpu.enqueue_indirect_dma source(%dma_start3A_62 : memref<125000x8xf32, #tpu.memory_space<hbm>>) target(%dma_start3A_57 : memref<128x8xf32, #tpu.memory_space<vmem>>) offsets(%dma_start3A_59 : memref<128xi32, #tpu.memory_space<vmem>>) semaphore(%arg23 : memref<!tpu.dma_semaphore, #tpu.memory_space<semaphore_mem>>)
    %dma_start3A_63 = arith.constant 128 : i32
    %dma_start3A_64 = arith.constant 0 : i32
    %dma_start3A_65 = tpu.memref_slice %arg18[%dma_start3A_63, %dma_start3A_64] : memref<512x8xf32, #tpu.memory_space<vmem>> -> memref<128x8xf32, #tpu.memory_space<vmem>>
    %dma_start3A_66 = arith.constant 128 : i32
    %dma_start3A_67 = tpu.memref_slice %arg14[%dma_start3A_66] : memref<512xi32, #tpu.memory_space<vmem>> -> memref<128xi32, #tpu.memory_space<vmem>>
    %dma_start3A_68 = arith.constant 0 : i32
    %dma_start3A_69 = arith.constant 0 : i32
    %dma_start3A_70 = tpu.memref_slice %arg5[%dma_start3A_68, %dma_start3A_69] : memref<125000x8xf32, #tpu.memory_space<hbm>> -> memref<125000x8xf32, #tpu.memory_space<hbm>>
    tpu.enqueue_indirect_dma source(%dma_start3A_70 : memref<125000x8xf32, #tpu.memory_space<hbm>>) target(%dma_start3A_65 : memref<128x8xf32, #tpu.memory_space<vmem>>) offsets(%dma_start3A_67 : memref<128xi32, #tpu.memory_space<vmem>>) semaphore(%arg23 : memref<!tpu.dma_semaphore, #tpu.memory_space<semaphore_mem>>)
    %dma_start3A_71 = arith.constant 256 : i32
    %dma_start3A_72 = arith.constant 0 : i32
    %dma_start3A_73 = tpu.memref_slice %arg15[%dma_start3A_71, %dma_start3A_72] : memref<512x16xf32, #tpu.memory_space<vmem>> -> memref<128x16xf32, #tpu.memory_space<vmem>>
    %dma_start3A_74 = arith.constant 256 : i32
    %dma_start3A_75 = tpu.memref_slice %arg11[%dma_start3A_74] : memref<512xi32, #tpu.memory_space<vmem>> -> memref<128xi32, #tpu.memory_space<vmem>>
    %dma_start3A_76 = arith.constant 0 : i32
    %dma_start3A_77 = arith.constant 0 : i32
    %dma_start3A_78 = tpu.memref_slice %arg2[%dma_start3A_76, %dma_start3A_77] : memref<1000000x16xf32, #tpu.memory_space<hbm>> -> memref<1000000x16xf32, #tpu.memory_space<hbm>>
    tpu.enqueue_indirect_dma source(%dma_start3A_78 : memref<1000000x16xf32, #tpu.memory_space<hbm>>) target(%dma_start3A_73 : memref<128x16xf32, #tpu.memory_space<vmem>>) offsets(%dma_start3A_75 : memref<128xi32, #tpu.memory_space<vmem>>) semaphore(%arg22 : memref<!tpu.dma_semaphore, #tpu.memory_space<semaphore_mem>>)
    %dma_start3A_79 = arith.constant 256 : i32
    %dma_start3A_80 = arith.constant 0 : i32
    %dma_start3A_81 = tpu.memref_slice %arg16[%dma_start3A_79, %dma_start3A_80] : memref<512x16xf32, #tpu.memory_space<vmem>> -> memref<128x16xf32, #tpu.memory_space<vmem>>
    %dma_start3A_82 = arith.constant 256 : i32
    %dma_start3A_83 = tpu.memref_slice %arg12[%dma_start3A_82] : memref<512xi32, #tpu.memory_space<vmem>> -> memref<128xi32, #tpu.memory_space<vmem>>
    %dma_start3A_84 = arith.constant 0 : i32
    %dma_start3A_85 = arith.constant 0 : i32
    %dma_start3A_86 = tpu.memref_slice %arg3[%dma_start3A_84, %dma_start3A_85] : memref<1000000x16xf32, #tpu.memory_space<hbm>> -> memref<1000000x16xf32, #tpu.memory_space<hbm>>
    tpu.enqueue_indirect_dma source(%dma_start3A_86 : memref<1000000x16xf32, #tpu.memory_space<hbm>>) target(%dma_start3A_81 : memref<128x16xf32, #tpu.memory_space<vmem>>) offsets(%dma_start3A_83 : memref<128xi32, #tpu.memory_space<vmem>>) semaphore(%arg22 : memref<!tpu.dma_semaphore, #tpu.memory_space<semaphore_mem>>)
    %dma_start3A_87 = arith.constant 256 : i32
    %dma_start3A_88 = arith.constant 0 : i32
    %dma_start3A_89 = tpu.memref_slice %arg17[%dma_start3A_87, %dma_start3A_88] : memref<512x8xf32, #tpu.memory_space<vmem>> -> memref<128x8xf32, #tpu.memory_space<vmem>>
    %dma_start3A_90 = arith.constant 256 : i32
    %dma_start3A_91 = tpu.memref_slice %arg13[%dma_start3A_90] : memref<512xi32, #tpu.memory_space<vmem>> -> memref<128xi32, #tpu.memory_space<vmem>>
    %dma_start3A_92 = arith.constant 0 : i32
    %dma_start3A_93 = arith.constant 0 : i32
    %dma_start3A_94 = tpu.memref_slice %arg4[%dma_start3A_92, %dma_start3A_93] : memref<125000x8xf32, #tpu.memory_space<hbm>> -> memref<125000x8xf32, #tpu.memory_space<hbm>>
    tpu.enqueue_indirect_dma source(%dma_start3A_94 : memref<125000x8xf32, #tpu.memory_space<hbm>>) target(%dma_start3A_89 : memref<128x8xf32, #tpu.memory_space<vmem>>) offsets(%dma_start3A_91 : memref<128xi32, #tpu.memory_space<vmem>>) semaphore(%arg23 : memref<!tpu.dma_semaphore, #tpu.memory_space<semaphore_mem>>)
    %dma_start3A_95 = arith.constant 256 : i32
    %dma_start3A_96 = arith.constant 0 : i32
    %dma_start3A_97 = tpu.memref_slice %arg18[%dma_start3A_95, %dma_start3A_96] : memref<512x8xf32, #tpu.memory_space<vmem>> -> memref<128x8xf32, #tpu.memory_space<vmem>>
    %dma_start3A_98 = arith.constant 256 : i32
    %dma_start3A_99 = tpu.memref_slice %arg14[%dma_start3A_98] : memref<512xi32, #tpu.memory_space<vmem>> -> memref<128xi32, #tpu.memory_space<vmem>>
    %dma_start3A_100 = arith.constant 0 : i32
    %dma_start3A_101 = arith.constant 0 : i32
    %dma_start3A_102 = tpu.memref_slice %arg5[%dma_start3A_100, %dma_start3A_101] : memref<125000x8xf32, #tpu.memory_space<hbm>> -> memref<125000x8xf32, #tpu.memory_space<hbm>>
    tpu.enqueue_indirect_dma source(%dma_start3A_102 : memref<125000x8xf32, #tpu.memory_space<hbm>>) target(%dma_start3A_97 : memref<128x8xf32, #tpu.memory_space<vmem>>) offsets(%dma_start3A_99 : memref<128xi32, #tpu.memory_space<vmem>>) semaphore(%arg23 : memref<!tpu.dma_semaphore, #tpu.memory_space<semaphore_mem>>)
    %dma_start3A_103 = arith.constant 384 : i32
    %dma_start3A_104 = arith.constant 0 : i32
    %dma_start3A_105 = tpu.memref_slice %arg15[%dma_start3A_103, %dma_start3A_104] : memref<512x16xf32, #tpu.memory_space<vmem>> -> memref<128x16xf32, #tpu.memory_space<vmem>>
    %dma_start3A_106 = arith.constant 384 : i32
    %dma_start3A_107 = tpu.memref_slice %arg11[%dma_start3A_106] : memref<512xi32, #tpu.memory_space<vmem>> -> memref<128xi32, #tpu.memory_space<vmem>>
    %dma_start3A_108 = arith.constant 0 : i32
    %dma_start3A_109 = arith.constant 0 : i32
    %dma_start3A_110 = tpu.memref_slice %arg2[%dma_start3A_108, %dma_start3A_109] : memref<1000000x16xf32, #tpu.memory_space<hbm>> -> memref<1000000x16xf32, #tpu.memory_space<hbm>>
    tpu.enqueue_indirect_dma source(%dma_start3A_110 : memref<1000000x16xf32, #tpu.memory_space<hbm>>) target(%dma_start3A_105 : memref<128x16xf32, #tpu.memory_space<vmem>>) offsets(%dma_start3A_107 : memref<128xi32, #tpu.memory_space<vmem>>) semaphore(%arg22 : memref<!tpu.dma_semaphore, #tpu.memory_space<semaphore_mem>>)
    %dma_start3A_111 = arith.constant 384 : i32
    %dma_start3A_112 = arith.constant 0 : i32
    %dma_start3A_113 = tpu.memref_slice %arg16[%dma_start3A_111, %dma_start3A_112] : memref<512x16xf32, #tpu.memory_space<vmem>> -> memref<128x16xf32, #tpu.memory_space<vmem>>
    %dma_start3A_114 = arith.constant 384 : i32
    %dma_start3A_115 = tpu.memref_slice %arg12[%dma_start3A_114] : memref<512xi32, #tpu.memory_space<vmem>> -> memref<128xi32, #tpu.memory_space<vmem>>
    %dma_start3A_116 = arith.constant 0 : i32
    %dma_start3A_117 = arith.constant 0 : i32
    %dma_start3A_118 = tpu.memref_slice %arg3[%dma_start3A_116, %dma_start3A_117] : memref<1000000x16xf32, #tpu.memory_space<hbm>> -> memref<1000000x16xf32, #tpu.memory_space<hbm>>
    tpu.enqueue_indirect_dma source(%dma_start3A_118 : memref<1000000x16xf32, #tpu.memory_space<hbm>>) target(%dma_start3A_113 : memref<128x16xf32, #tpu.memory_space<vmem>>) offsets(%dma_start3A_115 : memref<128xi32, #tpu.memory_space<vmem>>) semaphore(%arg22 : memref<!tpu.dma_semaphore, #tpu.memory_space<semaphore_mem>>)
    %dma_start3A_119 = arith.constant 384 : i32
    %dma_start3A_120 = arith.constant 0 : i32
    %dma_start3A_121 = tpu.memref_slice %arg17[%dma_start3A_119, %dma_start3A_120] : memref<512x8xf32, #tpu.memory_space<vmem>> -> memref<128x8xf32, #tpu.memory_space<vmem>>
    %dma_start3A_122 = arith.constant 384 : i32
    %dma_start3A_123 = tpu.memref_slice %arg13[%dma_start3A_122] : memref<512xi32, #tpu.memory_space<vmem>> -> memref<128xi32, #tpu.memory_space<vmem>>
    %dma_start3A_124 = arith.constant 0 : i32
    %dma_start3A_125 = arith.constant 0 : i32
    %dma_start3A_126 = tpu.memref_slice %arg4[%dma_start3A_124, %dma_start3A_125] : memref<125000x8xf32, #tpu.memory_space<hbm>> -> memref<125000x8xf32, #tpu.memory_space<hbm>>
    tpu.enqueue_indirect_dma source(%dma_start3A_126 : memref<125000x8xf32, #tpu.memory_space<hbm>>) target(%dma_start3A_121 : memref<128x8xf32, #tpu.memory_space<vmem>>) offsets(%dma_start3A_123 : memref<128xi32, #tpu.memory_space<vmem>>) semaphore(%arg23 : memref<!tpu.dma_semaphore, #tpu.memory_space<semaphore_mem>>)
    %dma_start3A_127 = arith.constant 384 : i32
    %dma_start3A_128 = arith.constant 0 : i32
    %dma_start3A_129 = tpu.memref_slice %arg18[%dma_start3A_127, %dma_start3A_128] : memref<512x8xf32, #tpu.memory_space<vmem>> -> memref<128x8xf32, #tpu.memory_space<vmem>>
    %dma_start3A_130 = arith.constant 384 : i32
    %dma_start3A_131 = tpu.memref_slice %arg14[%dma_start3A_130] : memref<512xi32, #tpu.memory_space<vmem>> -> memref<128xi32, #tpu.memory_space<vmem>>
    %dma_start3A_132 = arith.constant 0 : i32
    %dma_start3A_133 = arith.constant 0 : i32
    %dma_start3A_134 = tpu.memref_slice %arg5[%dma_start3A_132, %dma_start3A_133] : memref<125000x8xf32, #tpu.memory_space<hbm>> -> memref<125000x8xf32, #tpu.memory_space<hbm>>
    tpu.enqueue_indirect_dma source(%dma_start3A_134 : memref<125000x8xf32, #tpu.memory_space<hbm>>) target(%dma_start3A_129 : memref<128x8xf32, #tpu.memory_space<vmem>>) offsets(%dma_start3A_131 : memref<128xi32, #tpu.memory_space<vmem>>) semaphore(%arg23 : memref<!tpu.dma_semaphore, #tpu.memory_space<semaphore_mem>>)
    %dma_wait3A = arith.constant 0 : i32
    %dma_wait3A_135 = arith.constant 0 : i32
    %dma_wait3A_136 = tpu.memref_slice %arg15[%dma_wait3A, %dma_wait3A_135] : memref<512x16xf32, #tpu.memory_space<vmem>> -> memref<128x16xf32, #tpu.memory_space<vmem>>
    %dma_wait3A_137 = arith.constant 0 : i32
    %dma_wait3A_138 = tpu.memref_slice %arg11[%dma_wait3A_137] : memref<512xi32, #tpu.memory_space<vmem>> -> memref<128xi32, #tpu.memory_space<vmem>>
    %dma_wait3A_139 = arith.constant 0 : i32
    %dma_wait3A_140 = arith.constant 0 : i32
    %dma_wait3A_141 = tpu.memref_slice %arg2[%dma_wait3A_139, %dma_wait3A_140] : memref<1000000x16xf32, #tpu.memory_space<hbm>> -> memref<1000000x16xf32, #tpu.memory_space<hbm>>
    tpu.wait_indirect_dma semaphore(%arg22 : memref<!tpu.dma_semaphore, #tpu.memory_space<semaphore_mem>>) src(%dma_wait3A_141 : memref<1000000x16xf32, #tpu.memory_space<hbm>>) dst(%dma_wait3A_136 : memref<128x16xf32, #tpu.memory_space<vmem>>)
    %dma_wait3A_142 = arith.constant 0 : i32
    %dma_wait3A_143 = arith.constant 0 : i32
    %dma_wait3A_144 = tpu.memref_slice %arg16[%dma_wait3A_142, %dma_wait3A_143] : memref<512x16xf32, #tpu.memory_space<vmem>> -> memref<128x16xf32, #tpu.memory_space<vmem>>
    %dma_wait3A_145 = arith.constant 0 : i32
    %dma_wait3A_146 = tpu.memref_slice %arg12[%dma_wait3A_145] : memref<512xi32, #tpu.memory_space<vmem>> -> memref<128xi32, #tpu.memory_space<vmem>>
    %dma_wait3A_147 = arith.constant 0 : i32
    %dma_wait3A_148 = arith.constant 0 : i32
    %dma_wait3A_149 = tpu.memref_slice %arg3[%dma_wait3A_147, %dma_wait3A_148] : memref<1000000x16xf32, #tpu.memory_space<hbm>> -> memref<1000000x16xf32, #tpu.memory_space<hbm>>
    tpu.wait_indirect_dma semaphore(%arg22 : memref<!tpu.dma_semaphore, #tpu.memory_space<semaphore_mem>>) src(%dma_wait3A_149 : memref<1000000x16xf32, #tpu.memory_space<hbm>>) dst(%dma_wait3A_144 : memref<128x16xf32, #tpu.memory_space<vmem>>)
    %dma_wait3A_150 = arith.constant 0 : i32
    %dma_wait3A_151 = arith.constant 0 : i32
    %dma_wait3A_152 = tpu.memref_slice %arg17[%dma_wait3A_150, %dma_wait3A_151] : memref<512x8xf32, #tpu.memory_space<vmem>> -> memref<128x8xf32, #tpu.memory_space<vmem>>
    %dma_wait3A_153 = arith.constant 0 : i32
    %dma_wait3A_154 = tpu.memref_slice %arg13[%dma_wait3A_153] : memref<512xi32, #tpu.memory_space<vmem>> -> memref<128xi32, #tpu.memory_space<vmem>>
    %dma_wait3A_155 = arith.constant 0 : i32
    %dma_wait3A_156 = arith.constant 0 : i32
    %dma_wait3A_157 = tpu.memref_slice %arg4[%dma_wait3A_155, %dma_wait3A_156] : memref<125000x8xf32, #tpu.memory_space<hbm>> -> memref<125000x8xf32, #tpu.memory_space<hbm>>
    tpu.wait_indirect_dma semaphore(%arg23 : memref<!tpu.dma_semaphore, #tpu.memory_space<semaphore_mem>>) src(%dma_wait3A_157 : memref<125000x8xf32, #tpu.memory_space<hbm>>) dst(%dma_wait3A_152 : memref<128x8xf32, #tpu.memory_space<vmem>>)
    %dma_wait3A_158 = arith.constant 0 : i32
    %dma_wait3A_159 = arith.constant 0 : i32
    %dma_wait3A_160 = tpu.memref_slice %arg18[%dma_wait3A_158, %dma_wait3A_159] : memref<512x8xf32, #tpu.memory_space<vmem>> -> memref<128x8xf32, #tpu.memory_space<vmem>>
    %dma_wait3A_161 = arith.constant 0 : i32
    %dma_wait3A_162 = tpu.memref_slice %arg14[%dma_wait3A_161] : memref<512xi32, #tpu.memory_space<vmem>> -> memref<128xi32, #tpu.memory_space<vmem>>
    %dma_wait3A_163 = arith.constant 0 : i32
    %dma_wait3A_164 = arith.constant 0 : i32
    %dma_wait3A_165 = tpu.memref_slice %arg5[%dma_wait3A_163, %dma_wait3A_164] : memref<125000x8xf32, #tpu.memory_space<hbm>> -> memref<125000x8xf32, #tpu.memory_space<hbm>>
    tpu.wait_indirect_dma semaphore(%arg23 : memref<!tpu.dma_semaphore, #tpu.memory_space<semaphore_mem>>) src(%dma_wait3A_165 : memref<125000x8xf32, #tpu.memory_space<hbm>>) dst(%dma_wait3A_160 : memref<128x8xf32, #tpu.memory_space<vmem>>)
    %dma_wait3A_166 = arith.constant 128 : i32
    %dma_wait3A_167 = arith.constant 0 : i32
    %dma_wait3A_168 = tpu.memref_slice %arg15[%dma_wait3A_166, %dma_wait3A_167] : memref<512x16xf32, #tpu.memory_space<vmem>> -> memref<128x16xf32, #tpu.memory_space<vmem>>
    %dma_wait3A_169 = arith.constant 128 : i32
    %dma_wait3A_170 = tpu.memref_slice %arg11[%dma_wait3A_169] : memref<512xi32, #tpu.memory_space<vmem>> -> memref<128xi32, #tpu.memory_space<vmem>>
    %dma_wait3A_171 = arith.constant 0 : i32
    %dma_wait3A_172 = arith.constant 0 : i32
    %dma_wait3A_173 = tpu.memref_slice %arg2[%dma_wait3A_171, %dma_wait3A_172] : memref<1000000x16xf32, #tpu.memory_space<hbm>> -> memref<1000000x16xf32, #tpu.memory_space<hbm>>
    tpu.wait_indirect_dma semaphore(%arg22 : memref<!tpu.dma_semaphore, #tpu.memory_space<semaphore_mem>>) src(%dma_wait3A_173 : memref<1000000x16xf32, #tpu.memory_space<hbm>>) dst(%dma_wait3A_168 : memref<128x16xf32, #tpu.memory_space<vmem>>)
    %dma_wait3A_174 = arith.constant 128 : i32
    %dma_wait3A_175 = arith.constant 0 : i32
    %dma_wait3A_176 = tpu.memref_slice %arg16[%dma_wait3A_174, %dma_wait3A_175] : memref<512x16xf32, #tpu.memory_space<vmem>> -> memref<128x16xf32, #tpu.memory_space<vmem>>
    %dma_wait3A_177 = arith.constant 128 : i32
    %dma_wait3A_178 = tpu.memref_slice %arg12[%dma_wait3A_177] : memref<512xi32, #tpu.memory_space<vmem>> -> memref<128xi32, #tpu.memory_space<vmem>>
    %dma_wait3A_179 = arith.constant 0 : i32
    %dma_wait3A_180 = arith.constant 0 : i32
    %dma_wait3A_181 = tpu.memref_slice %arg3[%dma_wait3A_179, %dma_wait3A_180] : memref<1000000x16xf32, #tpu.memory_space<hbm>> -> memref<1000000x16xf32, #tpu.memory_space<hbm>>
    tpu.wait_indirect_dma semaphore(%arg22 : memref<!tpu.dma_semaphore, #tpu.memory_space<semaphore_mem>>) src(%dma_wait3A_181 : memref<1000000x16xf32, #tpu.memory_space<hbm>>) dst(%dma_wait3A_176 : memref<128x16xf32, #tpu.memory_space<vmem>>)
    %dma_wait3A_182 = arith.constant 128 : i32
    %dma_wait3A_183 = arith.constant 0 : i32
    %dma_wait3A_184 = tpu.memref_slice %arg17[%dma_wait3A_182, %dma_wait3A_183] : memref<512x8xf32, #tpu.memory_space<vmem>> -> memref<128x8xf32, #tpu.memory_space<vmem>>
    %dma_wait3A_185 = arith.constant 128 : i32
    %dma_wait3A_186 = tpu.memref_slice %arg13[%dma_wait3A_185] : memref<512xi32, #tpu.memory_space<vmem>> -> memref<128xi32, #tpu.memory_space<vmem>>
    %dma_wait3A_187 = arith.constant 0 : i32
    %dma_wait3A_188 = arith.constant 0 : i32
    %dma_wait3A_189 = tpu.memref_slice %arg4[%dma_wait3A_187, %dma_wait3A_188] : memref<125000x8xf32, #tpu.memory_space<hbm>> -> memref<125000x8xf32, #tpu.memory_space<hbm>>
    tpu.wait_indirect_dma semaphore(%arg23 : memref<!tpu.dma_semaphore, #tpu.memory_space<semaphore_mem>>) src(%dma_wait3A_189 : memref<125000x8xf32, #tpu.memory_space<hbm>>) dst(%dma_wait3A_184 : memref<128x8xf32, #tpu.memory_space<vmem>>)
    %dma_wait3A_190 = arith.constant 128 : i32
    %dma_wait3A_191 = arith.constant 0 : i32
    %dma_wait3A_192 = tpu.memref_slice %arg18[%dma_wait3A_190, %dma_wait3A_191] : memref<512x8xf32, #tpu.memory_space<vmem>> -> memref<128x8xf32, #tpu.memory_space<vmem>>
    %dma_wait3A_193 = arith.constant 128 : i32
    %dma_wait3A_194 = tpu.memref_slice %arg14[%dma_wait3A_193] : memref<512xi32, #tpu.memory_space<vmem>> -> memref<128xi32, #tpu.memory_space<vmem>>
    %dma_wait3A_195 = arith.constant 0 : i32
    %dma_wait3A_196 = arith.constant 0 : i32
    %dma_wait3A_197 = tpu.memref_slice %arg5[%dma_wait3A_195, %dma_wait3A_196] : memref<125000x8xf32, #tpu.memory_space<hbm>> -> memref<125000x8xf32, #tpu.memory_space<hbm>>
    tpu.wait_indirect_dma semaphore(%arg23 : memref<!tpu.dma_semaphore, #tpu.memory_space<semaphore_mem>>) src(%dma_wait3A_197 : memref<125000x8xf32, #tpu.memory_space<hbm>>) dst(%dma_wait3A_192 : memref<128x8xf32, #tpu.memory_space<vmem>>)
    %dma_wait3A_198 = arith.constant 256 : i32
    %dma_wait3A_199 = arith.constant 0 : i32
    %dma_wait3A_200 = tpu.memref_slice %arg15[%dma_wait3A_198, %dma_wait3A_199] : memref<512x16xf32, #tpu.memory_space<vmem>> -> memref<128x16xf32, #tpu.memory_space<vmem>>
    %dma_wait3A_201 = arith.constant 256 : i32
    %dma_wait3A_202 = tpu.memref_slice %arg11[%dma_wait3A_201] : memref<512xi32, #tpu.memory_space<vmem>> -> memref<128xi32, #tpu.memory_space<vmem>>
    %dma_wait3A_203 = arith.constant 0 : i32
    %dma_wait3A_204 = arith.constant 0 : i32
    %dma_wait3A_205 = tpu.memref_slice %arg2[%dma_wait3A_203, %dma_wait3A_204] : memref<1000000x16xf32, #tpu.memory_space<hbm>> -> memref<1000000x16xf32, #tpu.memory_space<hbm>>
    tpu.wait_indirect_dma semaphore(%arg22 : memref<!tpu.dma_semaphore, #tpu.memory_space<semaphore_mem>>) src(%dma_wait3A_205 : memref<1000000x16xf32, #tpu.memory_space<hbm>>) dst(%dma_wait3A_200 : memref<128x16xf32, #tpu.memory_space<vmem>>)
    %dma_wait3A_206 = arith.constant 256 : i32
    %dma_wait3A_207 = arith.constant 0 : i32
    %dma_wait3A_208 = tpu.memref_slice %arg16[%dma_wait3A_206, %dma_wait3A_207] : memref<512x16xf32, #tpu.memory_space<vmem>> -> memref<128x16xf32, #tpu.memory_space<vmem>>
    %dma_wait3A_209 = arith.constant 256 : i32
    %dma_wait3A_210 = tpu.memref_slice %arg12[%dma_wait3A_209] : memref<512xi32, #tpu.memory_space<vmem>> -> memref<128xi32, #tpu.memory_space<vmem>>
    %dma_wait3A_211 = arith.constant 0 : i32
    %dma_wait3A_212 = arith.constant 0 : i32
    %dma_wait3A_213 = tpu.memref_slice %arg3[%dma_wait3A_211, %dma_wait3A_212] : memref<1000000x16xf32, #tpu.memory_space<hbm>> -> memref<1000000x16xf32, #tpu.memory_space<hbm>>
    tpu.wait_indirect_dma semaphore(%arg22 : memref<!tpu.dma_semaphore, #tpu.memory_space<semaphore_mem>>) src(%dma_wait3A_213 : memref<1000000x16xf32, #tpu.memory_space<hbm>>) dst(%dma_wait3A_208 : memref<128x16xf32, #tpu.memory_space<vmem>>)
    %dma_wait3A_214 = arith.constant 256 : i32
    %dma_wait3A_215 = arith.constant 0 : i32
    %dma_wait3A_216 = tpu.memref_slice %arg17[%dma_wait3A_214, %dma_wait3A_215] : memref<512x8xf32, #tpu.memory_space<vmem>> -> memref<128x8xf32, #tpu.memory_space<vmem>>
    %dma_wait3A_217 = arith.constant 256 : i32
    %dma_wait3A_218 = tpu.memref_slice %arg13[%dma_wait3A_217] : memref<512xi32, #tpu.memory_space<vmem>> -> memref<128xi32, #tpu.memory_space<vmem>>
    %dma_wait3A_219 = arith.constant 0 : i32
    %dma_wait3A_220 = arith.constant 0 : i32
    %dma_wait3A_221 = tpu.memref_slice %arg4[%dma_wait3A_219, %dma_wait3A_220] : memref<125000x8xf32, #tpu.memory_space<hbm>> -> memref<125000x8xf32, #tpu.memory_space<hbm>>
    tpu.wait_indirect_dma semaphore(%arg23 : memref<!tpu.dma_semaphore, #tpu.memory_space<semaphore_mem>>) src(%dma_wait3A_221 : memref<125000x8xf32, #tpu.memory_space<hbm>>) dst(%dma_wait3A_216 : memref<128x8xf32, #tpu.memory_space<vmem>>)
    %dma_wait3A_222 = arith.constant 256 : i32
    %dma_wait3A_223 = arith.constant 0 : i32
    %dma_wait3A_224 = tpu.memref_slice %arg18[%dma_wait3A_222, %dma_wait3A_223] : memref<512x8xf32, #tpu.memory_space<vmem>> -> memref<128x8xf32, #tpu.memory_space<vmem>>
    %dma_wait3A_225 = arith.constant 256 : i32
    %dma_wait3A_226 = tpu.memref_slice %arg14[%dma_wait3A_225] : memref<512xi32, #tpu.memory_space<vmem>> -> memref<128xi32, #tpu.memory_space<vmem>>
    %dma_wait3A_227 = arith.constant 0 : i32
    %dma_wait3A_228 = arith.constant 0 : i32
    %dma_wait3A_229 = tpu.memref_slice %arg5[%dma_wait3A_227, %dma_wait3A_228] : memref<125000x8xf32, #tpu.memory_space<hbm>> -> memref<125000x8xf32, #tpu.memory_space<hbm>>
    tpu.wait_indirect_dma semaphore(%arg23 : memref<!tpu.dma_semaphore, #tpu.memory_space<semaphore_mem>>) src(%dma_wait3A_229 : memref<125000x8xf32, #tpu.memory_space<hbm>>) dst(%dma_wait3A_224 : memref<128x8xf32, #tpu.memory_space<vmem>>)
    %dma_wait3A_230 = arith.constant 384 : i32
    %dma_wait3A_231 = arith.constant 0 : i32
    %dma_wait3A_232 = tpu.memref_slice %arg15[%dma_wait3A_230, %dma_wait3A_231] : memref<512x16xf32, #tpu.memory_space<vmem>> -> memref<128x16xf32, #tpu.memory_space<vmem>>
    %dma_wait3A_233 = arith.constant 384 : i32
    %dma_wait3A_234 = tpu.memref_slice %arg11[%dma_wait3A_233] : memref<512xi32, #tpu.memory_space<vmem>> -> memref<128xi32, #tpu.memory_space<vmem>>
    %dma_wait3A_235 = arith.constant 0 : i32
    %dma_wait3A_236 = arith.constant 0 : i32
    %dma_wait3A_237 = tpu.memref_slice %arg2[%dma_wait3A_235, %dma_wait3A_236] : memref<1000000x16xf32, #tpu.memory_space<hbm>> -> memref<1000000x16xf32, #tpu.memory_space<hbm>>
    tpu.wait_indirect_dma semaphore(%arg22 : memref<!tpu.dma_semaphore, #tpu.memory_space<semaphore_mem>>) src(%dma_wait3A_237 : memref<1000000x16xf32, #tpu.memory_space<hbm>>) dst(%dma_wait3A_232 : memref<128x16xf32, #tpu.memory_space<vmem>>)
    %dma_wait3A_238 = arith.constant 384 : i32
    %dma_wait3A_239 = arith.constant 0 : i32
    %dma_wait3A_240 = tpu.memref_slice %arg16[%dma_wait3A_238, %dma_wait3A_239] : memref<512x16xf32, #tpu.memory_space<vmem>> -> memref<128x16xf32, #tpu.memory_space<vmem>>
    %dma_wait3A_241 = arith.constant 384 : i32
    %dma_wait3A_242 = tpu.memref_slice %arg12[%dma_wait3A_241] : memref<512xi32, #tpu.memory_space<vmem>> -> memref<128xi32, #tpu.memory_space<vmem>>
    %dma_wait3A_243 = arith.constant 0 : i32
    %dma_wait3A_244 = arith.constant 0 : i32
    %dma_wait3A_245 = tpu.memref_slice %arg3[%dma_wait3A_243, %dma_wait3A_244] : memref<1000000x16xf32, #tpu.memory_space<hbm>> -> memref<1000000x16xf32, #tpu.memory_space<hbm>>
    tpu.wait_indirect_dma semaphore(%arg22 : memref<!tpu.dma_semaphore, #tpu.memory_space<semaphore_mem>>) src(%dma_wait3A_245 : memref<1000000x16xf32, #tpu.memory_space<hbm>>) dst(%dma_wait3A_240 : memref<128x16xf32, #tpu.memory_space<vmem>>)
    %dma_wait3A_246 = arith.constant 384 : i32
    %dma_wait3A_247 = arith.constant 0 : i32
    %dma_wait3A_248 = tpu.memref_slice %arg17[%dma_wait3A_246, %dma_wait3A_247] : memref<512x8xf32, #tpu.memory_space<vmem>> -> memref<128x8xf32, #tpu.memory_space<vmem>>
    %dma_wait3A_249 = arith.constant 384 : i32
    %dma_wait3A_250 = tpu.memref_slice %arg13[%dma_wait3A_249] : memref<512xi32, #tpu.memory_space<vmem>> -> memref<128xi32, #tpu.memory_space<vmem>>
    %dma_wait3A_251 = arith.constant 0 : i32
    %dma_wait3A_252 = arith.constant 0 : i32
    %dma_wait3A_253 = tpu.memref_slice %arg4[%dma_wait3A_251, %dma_wait3A_252] : memref<125000x8xf32, #tpu.memory_space<hbm>> -> memref<125000x8xf32, #tpu.memory_space<hbm>>
    tpu.wait_indirect_dma semaphore(%arg23 : memref<!tpu.dma_semaphore, #tpu.memory_space<semaphore_mem>>) src(%dma_wait3A_253 : memref<125000x8xf32, #tpu.memory_space<hbm>>) dst(%dma_wait3A_248 : memref<128x8xf32, #tpu.memory_space<vmem>>)
    %dma_wait3A_254 = arith.constant 384 : i32
    %dma_wait3A_255 = arith.constant 0 : i32
    %dma_wait3A_256 = tpu.memref_slice %arg18[%dma_wait3A_254, %dma_wait3A_255] : memref<512x8xf32, #tpu.memory_space<vmem>> -> memref<128x8xf32, #tpu.memory_space<vmem>>
    %dma_wait3A_257 = arith.constant 384 : i32
    %dma_wait3A_258 = tpu.memref_slice %arg14[%dma_wait3A_257] : memref<512xi32, #tpu.memory_space<vmem>> -> memref<128xi32, #tpu.memory_space<vmem>>
    %dma_wait3A_259 = arith.constant 0 : i32
    %dma_wait3A_260 = arith.constant 0 : i32
    %dma_wait3A_261 = tpu.memref_slice %arg5[%dma_wait3A_259, %dma_wait3A_260] : memref<125000x8xf32, #tpu.memory_space<hbm>> -> memref<125000x8xf32, #tpu.memory_space<hbm>>
    tpu.wait_indirect_dma semaphore(%arg23 : memref<!tpu.dma_semaphore, #tpu.memory_space<semaphore_mem>>) src(%dma_wait3A_261 : memref<125000x8xf32, #tpu.memory_space<hbm>>) dst(%dma_wait3A_256 : memref<128x8xf32, #tpu.memory_space<vmem>>)
    %scan3A_262 = arith.constant 0 : i32
    %scan3A_263 = arith.constant 0 : i32
    %scan3A_264 = arith.constant 32 : i32
    %scan3A_265 = arith.addi %scan3A_263, %scan3A_264 : i32
    %scan3A_266 = arith.constant 1 : i32
    scf.for %scan3A_276 = %scan3A_263 to %scan3A_265 step %scan3A_266  : i32 {
      %mul3A_277 = arith.constant 16 : i32
      %mul3A_278 = arith.muli %scan3A_276, %mul3A_277 : i32
      %iota3A = tpu.iota {dimensions = array<i32: 0>} : vector<16xi32>
      %mul3A_279 = arith.constant 16 : i32
      %mul3A_280 = arith.muli %scan3A_276, %mul3A_279 : i32
      %add3A_281 = vector.broadcast %mul3A_280 : i32 to vector<16xi32>
      %add3A_282 = arith.addi %iota3A, %add3A_281 : vector<16xi32>
      %get3A = arith.index_cast %mul3A_278 : i32 to index
      %get3A_283 = tpu.vector_load %arg11[%get3A] {strides = array<i32>} : memref<512xi32, #tpu.memory_space<vmem>>, vector<16xi32>,
      %and3A = arith.constant 7 : i32
      %and3A_284 = vector.broadcast %and3A : i32 to vector<16xi32>
      %and3A_285 = arith.andi %get3A_283, %and3A_284 : vector<16xi32>
      %gather3A = tpu.vector_load_idx %arg17[%add3A_282, %and3A_285] : memref<512x8xf32, #tpu.memory_space<vmem>>[vector<16xi32>, vector<16xi32>], vector<16xf32>,
      %swap3A_286 = arith.index_cast %mul3A_278 : i32 to index
      %swap3A_287 = tpu.vector_load %arg19[%swap3A_286] {strides = array<i32>} : memref<512xf32, #tpu.memory_space<vmem>>, vector<16xf32>,
      tpu.vector_store %arg19[%swap3A_286], %gather3A {strides = array<i32>} : memref<512xf32, #tpu.memory_space<vmem>>, vector<16xf32>,
      %get3A_288 = arith.index_cast %mul3A_278 : i32 to index
      %get3A_289 = tpu.vector_load %arg12[%get3A_288] {strides = array<i32>} : memref<512xi32, #tpu.memory_space<vmem>>, vector<16xi32>,
      %and3A_290 = arith.constant 7 : i32
      %and3A_291 = vector.broadcast %and3A_290 : i32 to vector<16xi32>
      %and3A_292 = arith.andi %get3A_289, %and3A_291 : vector<16xi32>
      %gather3A_293 = tpu.vector_load_idx %arg18[%add3A_282, %and3A_292] : memref<512x8xf32, #tpu.memory_space<vmem>>[vector<16xi32>, vector<16xi32>], vector<16xf32>,
      %swap3A_294 = arith.index_cast %mul3A_278 : i32 to index
      %swap3A_295 = tpu.vector_load %arg20[%swap3A_294] {strides = array<i32>} : memref<512xf32, #tpu.memory_space<vmem>>, vector<16xf32>,
      tpu.vector_store %arg20[%swap3A_294], %gather3A_293 {strides = array<i32>} : memref<512xf32, #tpu.memory_space<vmem>>, vector<16xf32>,
    }
    %scan3A_267 = arith.constant 32 : i32
    "tpu.region"() ({
      %run_scoped3A = tpu.sem_alloc : memref<!tpu.dma_semaphore, #tpu.memory_space<semaphore_mem>>
      %dma_start3A_276 = arith.constant 0 : i32
      %dma_start3A_277 = tpu.memref_slice %arg9[%add3A, %dma_start3A_276] : memref<32x512xf32, #tpu.memory_space<hbm>> -> memref<1x512xf32, #tpu.memory_space<hbm>>
      %dma_start3A_278 = tpu.memref_squeeze %dma_start3A_277 : memref<1x512xf32, #tpu.memory_space<hbm>> -> memref<512xf32, #tpu.memory_space<hbm>>
      %dma_start3A_279 = arith.constant 0 : i32
      %dma_start3A_280 = tpu.memref_slice %arg9[%add3A, %dma_start3A_279] : memref<32x512xf32, #tpu.memory_space<hbm>> -> memref<1x512xf32, #tpu.memory_space<hbm>>
      %dma_start3A_281 = tpu.memref_squeeze %dma_start3A_280 : memref<1x512xf32, #tpu.memory_space<hbm>> -> memref<512xf32, #tpu.memory_space<hbm>>
      tpu.enqueue_dma source(%arg19 : memref<512xf32, #tpu.memory_space<vmem>>) target(%dma_start3A_281 : memref<512xf32, #tpu.memory_space<hbm>>) target_semaphore(%run_scoped3A : memref<!tpu.dma_semaphore, #tpu.memory_space<semaphore_mem>>)
      %dma_wait3A_282 = arith.constant 0 : i32
      %dma_wait3A_283 = tpu.memref_slice %arg9[%add3A, %dma_wait3A_282] : memref<32x512xf32, #tpu.memory_space<hbm>> -> memref<1x512xf32, #tpu.memory_space<hbm>>
      %dma_wait3A_284 = tpu.memref_squeeze %dma_wait3A_283 : memref<1x512xf32, #tpu.memory_space<hbm>> -> memref<512xf32, #tpu.memory_space<hbm>>
      %dma_wait3A_285 = arith.constant 0 : i32
      %dma_wait3A_286 = tpu.memref_slice %arg9[%add3A, %dma_wait3A_285] : memref<32x512xf32, #tpu.memory_space<hbm>> -> memref<1x512xf32, #tpu.memory_space<hbm>>
      %dma_wait3A_287 = tpu.memref_squeeze %dma_wait3A_286 : memref<1x512xf32, #tpu.memory_space<hbm>> -> memref<512xf32, #tpu.memory_space<hbm>>
      tpu.wait_dma2 semaphore(%run_scoped3A : memref<!tpu.dma_semaphore, #tpu.memory_space<semaphore_mem>>) src(%arg19 : memref<512xf32, #tpu.memory_space<vmem>>) dst(%dma_wait3A_287 : memref<512xf32, #tpu.memory_space<hbm>>)
      tpu.yield
    }) : () -> ()
    "tpu.region"() ({
      %run_scoped3A = tpu.sem_alloc : memref<!tpu.dma_semaphore, #tpu.memory_space<semaphore_mem>>
      %dma_start3A_276 = arith.constant 0 : i32
      %dma_start3A_277 = tpu.memref_slice %arg10[%add3A, %dma_start3A_276] : memref<32x512xf32, #tpu.memory_space<hbm>> -> memref<1x512xf32, #tpu.memory_space<hbm>>
      %dma_start3A_278 = tpu.memref_squeeze %dma_start3A_277 : memref<1x512xf32, #tpu.memory_space<hbm>> -> memref<512xf32, #tpu.memory_space<hbm>>
      %dma_start3A_279 = arith.constant 0 : i32
      %dma_start3A_280 = tpu.memref_slice %arg10[%add3A, %dma_start3A_279] : memref<32x512xf32, #tpu.memory_space<hbm>> -> memref<1x512xf32, #tpu.memory_space<hbm>>
      %dma_start3A_281 = tpu.memref_squeeze %dma_start3A_280 : memref<1x512xf32, #tpu.memory_space<hbm>> -> memref<512xf32, #tpu.memory_space<hbm>>
      tpu.enqueue_dma source(%arg20 : memref<512xf32, #tpu.memory_space<vmem>>) target(%dma_start3A_281 : memref<512xf32, #tpu.memory_space<hbm>>) target_semaphore(%run_scoped3A : memref<!tpu.dma_semaphore, #tpu.memory_space<semaphore_mem>>)
      %dma_wait3A_282 = arith.constant 0 : i32
      %dma_wait3A_283 = tpu.memref_slice %arg10[%add3A, %dma_wait3A_282] : memref<32x512xf32, #tpu.memory_space<hbm>> -> memref<1x512xf32, #tpu.memory_space<hbm>>
      %dma_wait3A_284 = tpu.memref_squeeze %dma_wait3A_283 : memref<1x512xf32, #tpu.memory_space<hbm>> -> memref<512xf32, #tpu.memory_space<hbm>>
      %dma_wait3A_285 = arith.constant 0 : i32
      %dma_wait3A_286 = tpu.memref_slice %arg10[%add3A, %dma_wait3A_285] : memref<32x512xf32, #tpu.memory_space<hbm>> -> memref<1x512xf32, #tpu.memory_space<hbm>>
      %dma_wait3A_287 = tpu.memref_squeeze %dma_wait3A_286 : memref<1x512xf32, #tpu.memory_space<hbm>> -> memref<512xf32, #tpu.memory_space<hbm>>
      tpu.wait_dma2 semaphore(%run_scoped3A : memref<!tpu.dma_semaphore, #tpu.memory_space<semaphore_mem>>) src(%arg20 : memref<512xf32, #tpu.memory_space<vmem>>) dst(%dma_wait3A_287 : memref<512xf32, #tpu.memory_space<hbm>>)
      tpu.yield
    }) : () -> ()
    %broadcast_in_dim3A = arith.constant 0.000000e+00 : f32
    %broadcast_in_dim3A_268 = vector.broadcast %broadcast_in_dim3A : f32 to vector<16xf32>
    %scan3A_269 = arith.constant 0 : i32
    %scan3A_270 = arith.constant 512 : i32
    %scan3A_271 = arith.addi %scan3A_269, %scan3A_270 : i32
    %scan3A_272 = arith.constant 1 : i32
    %scan3A_273 = scf.for %scan3A_276 = %scan3A_269 to %scan3A_271 step %scan3A_272 iter_args(%scan3A_277 = %broadcast_in_dim3A_268) -> (vector<16xf32>)  : i32 {
      %get3A = arith.index_cast %scan3A_276 : i32 to index
      %get3A_278 = arith.constant 0 : index
      %get3A_279 = tpu.vector_load %arg15[%get3A, %get3A_278] {strides = array<i32>} : memref<512x16xf32, #tpu.memory_space<vmem>>, vector<16xf32>,
      %get3A_280 = arith.index_cast %scan3A_276 : i32 to index
      %get3A_281 = arith.constant 0 : index
      %get3A_282 = tpu.vector_load %arg16[%get3A_280, %get3A_281] {strides = array<i32>} : memref<512x16xf32, #tpu.memory_space<vmem>>, vector<16xf32>,
      %mul3A_283 = arith.mulf %get3A_279, %get3A_282 : vector<16xf32>
      %add3A_284 = arith.addf %scan3A_277, %mul3A_283 : vector<16xf32>
      scf.yield %add3A_284 : vector<16xf32>
    }
    %scan3A_274 = arith.constant 512 : i32
    %swap3A = arith.constant 0 : index
    %swap3A_275 = tpu.vector_load %arg21[%swap3A] {strides = array<i32>} : memref<16xf32, #tpu.memory_space<vmem>>, vector<16xf32>,
    tpu.vector_store %arg21[%swap3A], %scan3A_273 {strides = array<i32>} : memref<16xf32, #tpu.memory_space<vmem>>, vector<16xf32>,
    "tpu.region"() ({
      %run_scoped3A = tpu.sem_alloc : memref<!tpu.dma_semaphore, #tpu.memory_space<semaphore_mem>>
      %dma_start3A_276 = arith.constant 0 : i32
      %dma_start3A_277 = tpu.memref_slice %arg8[%add3A, %dma_start3A_276] : memref<32x16xf32, #tpu.memory_space<hbm>> -> memref<1x16xf32, #tpu.memory_space<hbm>>
      %dma_start3A_278 = tpu.memref_squeeze %dma_start3A_277 : memref<1x16xf32, #tpu.memory_space<hbm>> -> memref<16xf32, #tpu.memory_space<hbm>>
      %dma_start3A_279 = arith.constant 0 : i32
      %dma_start3A_280 = tpu.memref_slice %arg8[%add3A, %dma_start3A_279] : memref<32x16xf32, #tpu.memory_space<hbm>> -> memref<1x16xf32, #tpu.memory_space<hbm>>
      %dma_start3A_281 = tpu.memref_squeeze %dma_start3A_280 : memref<1x16xf32, #tpu.memory_space<hbm>> -> memref<16xf32, #tpu.memory_space<hbm>>
      tpu.enqueue_dma source(%arg21 : memref<16xf32, #tpu.memory_space<vmem>>) target(%dma_start3A_281 : memref<16xf32, #tpu.memory_space<hbm>>) target_semaphore(%run_scoped3A : memref<!tpu.dma_semaphore, #tpu.memory_space<semaphore_mem>>)
      %dma_wait3A_282 = arith.constant 0 : i32
      %dma_wait3A_283 = tpu.memref_slice %arg8[%add3A, %dma_wait3A_282] : memref<32x16xf32, #tpu.memory_space<hbm>> -> memref<1x16xf32, #tpu.memory_space<hbm>>
      %dma_wait3A_284 = tpu.memref_squeeze %dma_wait3A_283 : memref<1x16xf32, #tpu.memory_space<hbm>> -> memref<16xf32, #tpu.memory_space<hbm>>
      %dma_wait3A_285 = arith.constant 0 : i32
      %dma_wait3A_286 = tpu.memref_slice %arg8[%add3A, %dma_wait3A_285] : memref<32x16xf32, #tpu.memory_space<hbm>> -> memref<1x16xf32, #tpu.memory_space<hbm>>
      %dma_wait3A_287 = tpu.memref_squeeze %dma_wait3A_286 : memref<1x16xf32, #tpu.memory_space<hbm>> -> memref<16xf32, #tpu.memory_space<hbm>>
      tpu.wait_dma2 semaphore(%run_scoped3A : memref<!tpu.dma_semaphore, #tpu.memory_space<semaphore_mem>>) src(%arg21 : memref<16xf32, #tpu.memory_space<vmem>>) dst(%dma_wait3A_287 : memref<16xf32, #tpu.memory_space<hbm>>)
      tpu.yield
    }) : () -> ()
    return
  }
}

module attributes {stable_mosaic.version = 14 : i64} {
  func.func @_finish(%arg0: memref<32x16xf32, #tpu.memory_space<vmem>>, %arg1: memref<32x512xf32, #tpu.memory_space<vmem>>, %arg2: memref<32x512xf32, #tpu.memory_space<vmem>>, %arg3: memref<32x512xf32, #tpu.memory_space<vmem>>) attributes {dimension_semantics = [], scalar_prefetch = 0 : i64, scratch_operands = 0 : i64, tpu.core_type = #tpu.core_type<tc>} {
    %get3A = arith.constant 0 : index
    %get3A_0 = arith.constant 0 : index
    %get3A_1 = vector.load %arg0[%get3A, %get3A_0] : memref<32x16xf32, #tpu.memory_space<vmem>>, vector<32x16xf32>
    %reduce_sum3A = vector.shape_cast %get3A_1 : vector<32x16xf32> to vector<1x32x16xf32>
    %reduce_sum3A_2 = arith.constant dense<0.000000e+00> : vector<1xf32>
    %reduce_sum3A_3 = vector.multi_reduction <add>, %reduce_sum3A, %reduce_sum3A_2 [1, 2] : vector<1x32x16xf32> to vector<1xf32>
    %reduce_sum3A_4 = vector.shape_cast %reduce_sum3A_3 : vector<1xf32> to vector<1x1x1xf32>
    %reduce_sum3A_5 = vector.extract %reduce_sum3A_4[0, 0, 0] : f32 from vector<1x1x1xf32>
    %get3A_6 = arith.constant 0 : index
    %get3A_7 = arith.constant 0 : index
    %get3A_8 = vector.load %arg1[%get3A_6, %get3A_7] : memref<32x512xf32, #tpu.memory_space<vmem>>, vector<32x512xf32>
    %add3A = vector.broadcast %reduce_sum3A_5 : f32 to vector<32x512xf32>
    %add3A_9 = arith.addf %add3A, %get3A_8 : vector<32x512xf32>
    %get3A_10 = arith.constant 0 : index
    %get3A_11 = arith.constant 0 : index
    %get3A_12 = vector.load %arg2[%get3A_10, %get3A_11] : memref<32x512xf32, #tpu.memory_space<vmem>>, vector<32x512xf32>
    %add3A_13 = arith.addf %add3A_9, %get3A_12 : vector<32x512xf32>
    %neg3A = arith.constant 0.000000e+00 : f32
    %neg3A_14 = vector.broadcast %neg3A : f32 to vector<32x512xf32>
    %neg3A_15 = arith.subf %neg3A_14, %add3A_13 : vector<32x512xf32>
    %exp3A = math.exp %neg3A_15 : vector<32x512xf32>
    %add3A_16 = arith.constant 1.000000e+00 : f32
    %add3A_17 = vector.broadcast %add3A_16 : f32 to vector<32x512xf32>
    %add3A_18 = arith.addf %add3A_17, %exp3A : vector<32x512xf32>
    %div3A = arith.constant 1.000000e+00 : f32
    %div3A_19 = vector.broadcast %div3A : f32 to vector<32x512xf32>
    %div3A_20 = arith.divf %div3A_19, %add3A_18 : vector<32x512xf32>
    %swap3A = arith.constant 0 : index
    %swap3A_21 = arith.constant 0 : index
    %swap3A_22 = vector.load %arg3[%swap3A, %swap3A_21] : memref<32x512xf32, #tpu.memory_space<vmem>>, vector<32x512xf32>
    tpu.vector_store %arg3[%swap3A, %swap3A_21], %div3A_20 {strides = array<i32>} : memref<32x512xf32, #tpu.memory_space<vmem>>, vector<32x512xf32>,
    return
  }
}

</mosaic_0001>

<sc_bundles>
// kernel: kernel.4.cloned.1.call-start
scs
__scs_entry_jumppad:
0x0: {  	(pc) =	sbr.rel $0x88, $3  }
0x1: {  	(tag) =	ssettag $0x0;
	lr =	simm.s32 $0x1  }
0x2: {  	[smem:$0x3F9C] =	sst lr;
	_ =	strace $0xD0000000  }
0x3: {  	_ = 	snop  }
0x4: {  	_ = 	snop  }
0x5: {  	_ = 	snop  }
0x6: {  	_ = 	snop  }
0x7: {  	_ = 	snop  }
__scs_overlays_trampoline_lowered:
0x8: {  	[smem:$0x3FAB] =	sst s0  }
0x9: {  	[smem:$0x3FAC] =	sst s1  }
0xa: {  	[smem:$0x3FAD] =	sst s2  }
0xb: {  	[smem:$0x3FAE] =	sst s3  }
0xc: {  	[smem:$0x3FAF] =	sst s4  }
0xd: {  	[smem:$0x3FB0] =	sst s5  }
0xe: {  	[smem:$0x3FB1] =	sst s6  }
0xf: {  	[smem:$0x3FB2] =	sst s7  }
0x10: {  	[smem:$0x3FB3] =	sst s8  }
0x11: {  	[smem:$0x3FB4] =	sst s9;
	s0 =	simm.s32 @!p0 $0x0  }
0x12: {  	s1 =	sld [smem:$0x3F9A];
	s0 =	simm.s32 @p0 $0x1  }
0x13: {  	[smem:$0x3FB5] =	sst s0;
	s0 =	simm.s32 @!p1 $0x0  }
0x14: {  	s2 =	sld [smem:$0x3F99];
	s0 =	simm.s32 @p1 $0x1  }
0x15: {  	[smem:$0x3FB6] =	sst s0;
	s0 =	simm.s32 @!p2 $0x0  }
0x16: {  	s3 =	sld [smem:$0x3FDB];
	s0 =	simm.s32 @p2 $0x1  }
0x17: {  	s4 =	simm.s32 $0x1BF5;
	[smem:$0x3FB8] =	sst s0  }
0x18: {  	s0 =	sld [smem:$0x3F9B];
	_ =	swait.ge [sflag:s4], $0x0  }
0x19: {  	s7 =	sld [smem:$0x3F9C]  }
0x1a: {  	s8 =	sadd.s32 $0xFFFFE003, lr  }
0x1b: {  	s9 =	sadd.s32 $0xFFFFFEF7, lr;
	s5 =	simm.s32 $0xFFFFFFFF;
	p2 =	slt.u32 s8, $0xFFFFF086  }
0x1c: {  	p1 =	slt.u32 s9, $0xF7A;
	s5 =	simm.s32 @!p2 $0x0  }
0x1d: {  	s5 =	simm.s32 @p1 $0x1;
	p0 =	seq.s32 s7, s2  }
0x1e: {  	s7 =	smul.u32 @!p0 $0xF7A, s2;
	p2 =	seq.s32 @!p0 s5, $0x0  }
0x1f: {  	s9 =	smul.u32 $0xF7A, s1;
	s8 =	simm.s32 @!p0 $0x1BF5;
	p2 =	por !p2, p0  }
0x20: {  	[sflag:s8] =	ssyncset.s32 @!p0 $0xFFFFF086;
	s6 =	sadd.s32 @!p0 s3, s7;
	s7 =	simm.s32 @!p0 $0x108  }
0x21: {  	s3 =	sadd.s32 s3, s9;
	s6 =	sadd.s32 @!p0 $0x88, s6;
	s7 =	simm.s32 @p2 $0x1082  }
0x22: {  	[simem:s7], [sflag:s8] =	dma.local @!p0 [hbm:s6], $0xF7A  }
0x23: {  	s9 =	sor.u32 $0xD0000000, s2;
	s6 =	simm.s32 $0x108;
	_ =	swait.ge @!p0 [sflag:s8], $0x0  }
0x24: {  	s3 =	sadd.s32 $0x88, s3;
	s6 =	simm.s32 @!p1 $0x1082;
	[sflag:s4] =	ssyncset.s32 $0xFFFFF086  }
0x25: {  	[simem:s6], [sflag:s4] =	dma.local [hbm:s3], $0xF7A  }
0x26: {  	[smem:$0x3F9C] =	sst s1;
	(tag) =	ssettag s2;
	_ =	strace s9  }
0x27: {  	s1 =	sld [smem:$0x3FAC]  }
0x28: {  	s2 =	sld [smem:$0x3FAD]  }
0x29: {  	s4 =	sld [smem:$0x3FAF]  }
0x2a: {  	p0 =	seq.s32 s5, $0x0;
	s5 =	sld [smem:$0x3FB0]  }
0x2b: {  	s6 =	sld [smem:$0x3FB1]  }
0x2c: {  	s7 =	sld [smem:$0x3FB2]  }
0x2d: {  	s3 =	simm.s32 $0x108;
	s8 =	sld [smem:$0x3FB3]  }
0x2e: {  	s3 =	simm.s32 @!p0 $0x1082;
	s9 =	sld [smem:$0x3FB4]  }
0x2f: {  	lr =	sadd.s32 s0, s3;
	s0 =	sld [smem:$0x3FAB]  }
0x30: {  	s3 =	sld [smem:$0x3FAE]  }
0x31: {  	[smem:$0x3FB7] =	sst s10  }
0x32: {  	s10 =	sld [smem:$0x3FB5];
	_ =	sdelay $0x3  }
0x33: {  	p0 =	seq.s32 s10, $0x1;
	s10 =	sld [smem:$0x3FB7];
	_ =	sdelay $0x3  }
0x34: {  	[smem:$0x3FB7] =	sst s10  }
0x35: {  	s10 =	sld [smem:$0x3FB6];
	_ =	sdelay $0x3  }
0x36: {  	p1 =	seq.s32 s10, $0x1;
	s10 =	sld [smem:$0x3FB7];
	_ =	sdelay $0x3  }
0x37: {  	[smem:$0x3FB7] =	sst s10  }
0x38: {  	s10 =	sld [smem:$0x3FB8]  }
0x39: {  	_ = 	snop;
	(pc) =	sbr.ind lr, $3  }
0x3a: {  	_ = 	snop  }
0x3b: {  	_ = 	snop  }
0x3c: {  	p2 =	seq.s32 s10, $0x1;
	s10 =	sld [smem:$0x3FB7]  }
0x3d: {  	_ =	shalt  }
0x3e: {  	_ =	shalt  }
0x3f: {  	_ =	shalt  }
0x40: {  	_ =	shalt  }
0x41: {  	_ =	shalt  }
0x42: {  	_ =	shalt  }
0x43: {  	_ =	shalt  }
0x44: {  	_ =	shalt  }
0x45: {  	_ =	shalt  }
0x46: {  	_ =	shalt  }
0x47: {  	_ =	shalt  }
0x48: {  	_ =	shalt  }
0x49: {  	_ =	shalt  }
0x4a: {  	_ =	shalt  }
0x4b: {  	_ =	shalt  }
0x4c: {  	_ =	shalt  }
0x4d: {  	_ =	shalt  }
0x4e: {  	_ =	shalt  }
0x4f: {  	_ =	shalt  }
0x50: {  	_ =	shalt  }
0x51: {  	_ =	shalt  }
0x52: {  	_ =	shalt  }
0x53: {  	_ =	shalt  }
0x54: {  	_ =	shalt  }
0x55: {  	_ =	shalt  }
0x56: {  	_ =	shalt  }
0x57: {  	_ =	shalt  }
0x58: {  	_ =	shalt  }
0x59: {  	_ =	shalt  }
0x5a: {  	_ =	shalt  }
0x5b: {  	_ =	shalt  }
0x5c: {  	_ =	shalt  }
0x5d: {  	_ =	shalt  }
0x5e: {  	_ =	shalt  }
0x5f: {  	_ =	shalt  }
0x60: {  	_ =	shalt  }
0x61: {  	_ =	shalt  }
0x62: {  	_ =	shalt  }
0x63: {  	_ =	shalt  }
0x64: {  	_ =	shalt  }
0x65: {  	_ =	shalt  }
0x66: {  	_ =	shalt  }
0x67: {  	_ =	shalt  }
0x68: {  	_ =	shalt  }
0x69: {  	_ =	shalt  }
0x6a: {  	_ =	shalt  }
0x6b: {  	_ =	shalt  }
0x6c: {  	_ =	shalt  }
0x6d: {  	_ =	shalt  }
0x6e: {  	_ =	shalt  }
0x6f: {  	_ =	shalt  }
0x70: {  	_ =	shalt  }
0x71: {  	_ =	shalt  }
0x72: {  	_ =	shalt  }
0x73: {  	_ =	shalt  }
0x74: {  	_ =	shalt  }
0x75: {  	_ =	shalt  }
0x76: {  	_ =	shalt  }
0x77: {  	_ =	shalt  }
0x78: {  	_ =	shalt  }
0x79: {  	_ =	shalt  }
0x7a: {  	_ =	shalt  }
0x7b: {  	_ =	shalt  }
0x7c: {  	_ =	shalt  }
0x7d: {  	_ =	shalt  }
0x7e: {  	_ =	shalt  }
0x7f: {  	_ =	shalt  }
0x80: {  	_ =	shalt  }
0x81: {  	_ =	shalt  }
0x82: {  	_ =	shalt  }
0x83: {  	_ =	shalt  }
0x84: {  	_ =	shalt  }
0x85: {  	_ =	shalt  }
0x86: {  	_ =	shalt  }
0x87: {  	_ =	shalt  }
.Lfunc_end0:
.L_simem_size_0:
called_computation_lowered:
.L_overlay_start_0:
0x88: {  	s2 =	sld [smem:$0x3FD9]  }
0x89: {  	s3 =	sld [smem:$0x3FFE];
	_ =	sdelay $0x1  }
0x8a: {  	s1 =	srdreg.scid  }
0x8b: {  	s0 =	sand.u32 $0x1, s1  }
0x8c: {  	s17 =	sshll.u32 s0, $0xA;
	s2 =	sadd.s32 s3, s2  }
0x8d: {  	s2 =	sadd.s32 s2, s17  }
0x8e: {  	[smem:$0x3FC3] =	sst s2  }
0x8f: {  	_ = 	snop  }
0x90: {  	s2 =	sld [smem:$0x3FD0];
	(tm) =	ssettm $0x1  }
0x91: {  	s18 =	sld [smem:$0x3FFB];
	_ =	sdelay $0x3  }
0x92: {  	_ =	strace s18  }
0x93: {  	s3 =	sld [smem:$0x3FFC];
	_ =	sdelay $0x3  }
0x94: {  	_ =	strace s3  }
0x95: {  	s3 =	sld [smem:$0x3FFD];
	_ =	sdelay $0x3  }
0x96: {  	_ =	strace s3  }
0x97: {  	_ =	strace $0x8FFFFFFF  }
0x98: {  	s19 =	sld [smem:$0x3FDB];
	_ =	sdelay $0x1  }
0x99: {  	s4 =	simm.s32 $_scs_section_size  }
0x9a: {  	s5 =	simm.s32 $_size__tile_overlayer_lowered;
	s6 =	simm.s32 $_tile_overlayer_lowered  }
0x9b: {  	s22 =	simm.s32 $0x1BFF;
	s21 =	sshll.u32 s6, $0x1;
	s3 =	sadd.s32 s4, s19  }
0x9c: {  	s7 =	simm.s32 $0x0;
	s20 =	sshll.u32 s5, $0x1;
	s5 =	sadd.s32 s21, s3  }
0x9d: {  	[timem:s7], [sflag:s22] =	dma.local [hbm:s5], s20  }
0x9e: {  	_ =	swait.ge [sflag:s22], s20  }
0x9f: {  	s4 =	ssub.s32 $0x0, s20;
	[sflag:s22] =	ssyncset.done $0x0  }
0xa0: {  	[sflag:s22] =	ssyncadd.s32 s4;
	_ =	sdelay $0x1  }
0xa1: {  	s23 =	simm.s32 $0x1B8B  }
0xa2: {  	_ =	swait.ge [sflag:s23], $0x1  }
0xa3: {  	[sflag:s23] =	ssyncset.done $0x0  }
0xa4: {  	s25 =	simm.s32 $0x1B8E;
	s24 =	sld [smem:$0x3FFE];
	[sflag:s23] =	ssyncadd.s32 $0xFFFFFFFF  }
0xa5: {  	s26 =	simm.s32 $execute0_lowered;
	[smem:$0x3FD2] =	sst s25  }
0xa6: {  	s5 =	sshll.u32 s26, $0x1;
	_ =	strace $0x80000046;
	[dreg:$0x1] =	wrdreg $0xFFFFFFFF  }
0xa7: {  	s28 =	simm.s32 $_size_execute0_lowered;
	s3 =	sadd.s32 s3, s5;
	[dreg:$0x0] =	wrdreg $0x0  }
0xa8: {  	s5 =	sshll.u32 s28, $0x1;
	[dreg:$0x2] =	wrdreg s3  }
0xa9: {  	[dreg:$0x3] =	wrdreg s5  }
0xaa: {  	[dreg:$0x4] =	wrdreg $0xC0  }
0xab: {  	_ =	task [dreg:s7], $0x5FFFF  }
0xac: {  	[dreg:$0x1] =	wrdreg $0xFFFFFFFF  }
0xad: {  	[dreg:$0x0] =	wrdreg $0x60  }
0xae: {  	[dreg:$0x2] =	wrdreg s24  }
0xaf: {  	[dreg:$0x3] =	wrdreg s2  }
0xb0: {  	[dreg:$0x4] =	wrdreg $0x9  }
0xb1: {  	_ =	task.clear_ibuf [dreg:s7], $0x5FFFF;
	_ =	strace $0x90000046  }
0xb2: {  	s29 =	simm.s32 $0x9;
	_ =	strace $0x80000048  }
0xb3: {  	_ =	swait.ge [sflag:s29], $0x1  }
0xb4: {  	[sflag:s29] =	ssyncadd.s32 $0xFFFFFFFF  }
0xb5: {  	_ =	strace $0x90000048  }
0xb6: {  	_ =	sfence  }
0xb7: {  	s30 =	sld [smem:$0x0];
	_ =	sdelay $0x2  }
0xb8: {  	s31 =	sshll.u32 s1, $0xD;
	s1 =	sshrl.u32 s1, $0x2  }
0xb9: {  	s3 =	sand.u32 $0x4000, s31;
	s1 =	sadd.s32 s1, s30  }
0xba: {  	s0 =	sor.u32 s3, s0;
	s1 =	sshll.u32 s1, $0x11  }
0xbb: {  	s0 =	sor.u32 s1, s0  }
0xbc: {  	s0 =	sadd.s32 $0x8F2B, s0  }
0xbd: {  	[sflag:s0] =	ssyncadd.remote.s32 $0x1  }
0xbe: {  	_ =	sfence.sel $0xFFFF  }
0xbf: {  	[dreg:$0x0] =	wrdreg $0xFFFFFFFF;
	(pc) =	sbr.abs _section_cstart, $3  }
0xc0: {  	[dreg:$0x1] =	wrdreg $0xFFFFFFFF  }
0xc1: {  	_ =	task.clear_ibuf [dreg:s7], $0x2FFFF;
	_ =	strace $0x9FFFFFFF  }
0xc2: {  	(tm) =	ssettm $0x7FFFFFFF  }
0xc3: {  	_ =	shalt  }
tec
execute0_lowered:
.L_overlay_start_1:
0x0: {  	(tag) =	ssettag $0x1  }
0x1: {  	s0 =	rddreg [dreg:$0x0]  }
0x2: {  	s2 =	rddreg [dreg:$0x1];
	s1 =	simm.s32 $0x0  }
0x3: {  	s5 =	srdreg.scid;
	s6 =	stileid.u32;
	s13 =	simm.s32 $0x3  }
0x4: {  	s15 =	simm.s32 $0x80;
	s19 =	simm.s32 $0x4800;
	s21 =	simm.s32 $0x5800  }
0x5: {  	s24 =	simm.s32 $0x4000;
	s25 =	simm.s32 $0x580;
	s28 =	simm.s32 $0x780  }
0x6: {  	s29 =	simm.s32 $0x6400;
	s30 =	simm.s32 $0x1;
	s31 =	simm.s32 $0x2  }
0x7: {  	s14 =	simm.s32 $0x6C00;
	s16 =	simm.s32 $0x0;
	[smem:$0x7FF] =	sst s1  }
0x8: {  	s3 =	sadd.s32 $0xF42A00, s0;
	s4 =	sadd.s32 $0x112B000, s0;
	s7 =	sand.u32 $0x1, s5  }
0x9: {  	s8 =	sshll.u32 s6, $0x1;
	s5 =	sadd.s32 $0x600, s0;
	s6 =	sadd.s32 $0x1F000, s0  }
0xa: {  	_ =	strace $0x80000047;
	s8 =	sor.u32 s7, s8;
	s7 =	ssub.s32 $0x2, s7  }
0xb: {  	s9 =	sshll.u32 s8, $0x1;
	s8 =	sshll.u32 s8, $0x6;
	s26 =	sshrl.u32 s7, $0x1  }
0xc: {  	s11 =	sadd.s32 s9, s0;
	s0 =	sadd.s32 s8, s0;
	s12 =	ssub.s32 s7, s26  }
0xd: {  	s8 =	sadd.s32 s2, s8;
	s26 =	simm.s32 $0x5400;
	s2 =	simm.s32 $0x6A00  }
0xe: {  	v0 =	vlaneseq.u32;
	s7 =	sadd.s32 $0x3DA00, s0;
	s9 =	sadd.s32 $0x3E400, s0;
	s10 =	sadd.s32 $0x3EC00, s0  }
0xf: {  	v0 =	vmul.u32 $0x8, v0;
	s11 =	sadd.s32 $0x3E200, s11;
	s12 =	smax.u32 s12, $0x1;
	s0 =	simm.s32 $0x6800  }
.LBB2_1:
0x10: {  	[tilespmem:s1], [sflag:$0x3] =	stream.linear.gather [hbm4b:s7+s1], $0x200, $0x38;
	[tilespmem:$0x6C10] =	vst v63  }
0x11: {  	_ =	swait.ge [sflag:s13], $0x200  }
0x12: {  	[sflag:s13] =	ssyncset.done $0x0  }
0x13: {  	s17 =	simm.s32 $0x200;
	[sflag:s13] =	ssyncadd.s32 $0xFFFFFE00  }
0x14: {  	[tilespmem:s17], [sflag:$0x3] =	stream.linear.gather [hbm4b:s8+s1], $0x200, $0x38;
	[tilespmem:$0x6C10] =	vst v63  }
0x15: {  	_ =	swait.ge [sflag:s13], $0x200  }
0x16: {  	[sflag:s13] =	ssyncset.done $0x0  }
0x17: {  	s17 =	simm.s32 $0x0;
	[sflag:s13] =	ssyncadd.s32 $0xFFFFFE00  }
0x18: {  	v1 =	vld [tilespmem:s17+$0x200]  }
0x19: {  	s18 =	simm.s32 $0x40;
	v2 =	vld [tilespmem:s17+$0x0]  }
.LBB2_2:
0x1a: {  	p0 =	sne.s32 s18, $0x7C0  }
.Ltmp0:
0x1b: {  	_ = 	snop;
	(pc) =	sbr.rel @p0 .LBB2_2-.Ltmp0, $4  }
0x1c: {  	_ = 	snop  }
0x1d: {  	s20 =	sshra.s32 s18, $0x2;
	s18 =	sadd.s32 $0x40, s18;
	v3 =	vshrl.u32 v1, $0x3  }
0x1e: {  	v1 =	vld [tilespmem:s20+$0x200];
	v4 =	vshrl.u32 v2, $0x3;
	[tilespmem:s17+$0x600] =	vst v3  }
0x1f: {  	v2 =	vld [tilespmem:s20+$0x0];
	[tilespmem:s17+$0x400] =	vst v4;
	s17 =	smov.u32 s20  }
0x20: {  	_ =	sdelay $0x2  }
0x21: {  	v1 =	vshrl.u32 v1, $0x3  }
0x22: {  	v2 =	vshrl.u32 v2, $0x3;
	[tilespmem:s17+$0x600] =	vst v1  }
0x23: {  	s18 =	simm.s32 $0x800;
	[tilespmem:s17+$0x400] =	vst v2;
	s17 =	simm.s32 $0x0  }
0x24: {  	[tilespmem:s18], [sflag:$0x1] =	stream.indirect.gather [hbm4b:s3+s15], $0x10, s17, s15, $0xb8;
	[tilespmem:$0x6C10] =	vst v63  }
0x25: {  	s20 =	simm.s32 $0x2800;
	s18 =	simm.s32 $0x200  }
0x26: {  	[tilespmem:s20], [sflag:$0x1] =	stream.indirect.gather [hbm4b:s4+s15], $0x10, s18, s15, $0xb8;
	[tilespmem:$0x6C10] =	vst v63  }
0x27: {  	s22 =	simm.s32 $0x400  }
0x28: {  	[tilespmem:s19], [sflag:$0x2] =	stream.indirect.gather [hbm4b:s5+s15], $0x8, s22, s15, $0xb8;
	[tilespmem:$0x6C10] =	vst v63  }
0x29: {  	s23 =	simm.s32 $0x600  }
0x2a: {  	[tilespmem:s21], [sflag:$0x2] =	stream.indirect.gather [hbm4b:s6+s15], $0x8, s23, s15, $0xb8;
	[tilespmem:$0x6C10] =	vst v63  }
0x2b: {  	s22 =	simm.s32 $0x1000  }
0x2c: {  	[tilespmem:s22], [sflag:$0x1] =	stream.indirect.gather [hbm4b:s3+s15], $0x10, s15, s15, $0xb8;
	[tilespmem:$0x6C10] =	vst v63  }
0x2d: {  	s23 =	simm.s32 $0x280;
	s22 =	simm.s32 $0x3000  }
0x2e: {  	[tilespmem:s22], [sflag:$0x1] =	stream.indirect.gather [hbm4b:s4+s15], $0x10, s23, s15, $0xb8;
	[tilespmem:$0x6C10] =	vst v63  }
0x2f: {  	s22 =	simm.s32 $0x480;
	s23 =	simm.s32 $0x4C00  }
0x30: {  	[tilespmem:s23], [sflag:$0x2] =	stream.indirect.gather [hbm4b:s5+s15], $0x8, s22, s15, $0xb8;
	[tilespmem:$0x6C10] =	vst v63  }
0x31: {  	s22 =	simm.s32 $0x680;
	s23 =	simm.s32 $0x5C00  }
0x32: {  	[tilespmem:s23], [sflag:$0x2] =	stream.indirect.gather [hbm4b:s6+s15], $0x8, s22, s15, $0xb8;
	[tilespmem:$0x6C10] =	vst v63  }
0x33: {  	s22 =	simm.s32 $0x100;
	s23 =	simm.s32 $0x1800  }
0x34: {  	[tilespmem:s23], [sflag:$0x1] =	stream.indirect.gather [hbm4b:s3+s15], $0x10, s22, s15, $0xb8;
	[tilespmem:$0x6C10] =	vst v63  }
0x35: {  	s22 =	simm.s32 $0x300;
	s23 =	simm.s32 $0x3800  }
0x36: {  	[tilespmem:s23], [sflag:$0x1] =	stream.indirect.gather [hbm4b:s4+s15], $0x10, s22, s15, $0xb8;
	[tilespmem:$0x6C10] =	vst v63  }
0x37: {  	s22 =	simm.s32 $0x500;
	s23 =	simm.s32 $0x5000  }
0x38: {  	[tilespmem:s23], [sflag:$0x2] =	stream.indirect.gather [hbm4b:s5+s15], $0x8, s22, s15, $0xb8;
	[tilespmem:$0x6C10] =	vst v63  }
0x39: {  	s22 =	simm.s32 $0x700;
	s23 =	simm.s32 $0x6000  }
0x3a: {  	[tilespmem:s23], [sflag:$0x2] =	stream.indirect.gather [hbm4b:s6+s15], $0x8, s22, s15, $0xb8;
	[tilespmem:$0x6C10] =	vst v63  }
0x3b: {  	s22 =	simm.s32 $0x180;
	s23 =	simm.s32 $0x2000  }
0x3c: {  	[tilespmem:s23], [sflag:$0x1] =	stream.indirect.gather [hbm4b:s3+s15], $0x10, s22, s15, $0xb8;
	[tilespmem:$0x6C10] =	vst v63  }
0x3d: {  	s23 =	simm.s32 $0x380  }
0x3e: {  	[tilespmem:s24], [sflag:$0x1] =	stream.indirect.gather [hbm4b:s4+s15], $0x10, s23, s15, $0xb8;
	[tilespmem:$0x6C10] =	vst v63  }
0x3f: {  	_ = 	snop  }
0x40: {  	[tilespmem:s26], [sflag:$0x2] =	stream.indirect.gather [hbm4b:s5+s15], $0x8, s25, s15, $0xb8;
	[tilespmem:$0x6C10] =	vst v63  }
0x41: {  	_ = 	snop  }
0x42: {  	[tilespmem:s29], [sflag:$0x2] =	stream.indirect.gather [hbm4b:s6+s15], $0x8, s28, s15, $0xb8;
	[tilespmem:$0x6C10] =	vst v63  }
0x43: {  	_ =	swait.ge [sflag:s30], $0x800  }
0x44: {  	[sflag:s30] =	ssyncset.done $0x0  }
0x45: {  	[sflag:s30] =	ssyncadd.s32 $0xFFFFF800  }
0x46: {  	_ =	swait.ge [sflag:s30], $0x800  }
0x47: {  	[sflag:s30] =	ssyncset.done $0x0  }
0x48: {  	[sflag:s30] =	ssyncadd.s32 $0xFFFFF800  }
0x49: {  	_ =	swait.ge [sflag:s31], $0x400  }
0x4a: {  	[sflag:s31] =	ssyncset.done $0x0  }
0x4b: {  	[sflag:s31] =	ssyncadd.s32 $0xFFFFFC00  }
0x4c: {  	_ =	swait.ge [sflag:s31], $0x400  }
0x4d: {  	[sflag:s31] =	ssyncset.done $0x0  }
0x4e: {  	[sflag:s31] =	ssyncadd.s32 $0xFFFFFC00  }
0x4f: {  	_ =	swait.ge [sflag:s30], $0x800  }
0x50: {  	[sflag:s30] =	ssyncset.done $0x0  }
0x51: {  	[sflag:s30] =	ssyncadd.s32 $0xFFFFF800  }
0x52: {  	_ =	swait.ge [sflag:s30], $0x800  }
0x53: {  	[sflag:s30] =	ssyncset.done $0x0  }
0x54: {  	[sflag:s30] =	ssyncadd.s32 $0xFFFFF800  }
0x55: {  	_ =	swait.ge [sflag:s31], $0x400  }
0x56: {  	[sflag:s31] =	ssyncset.done $0x0  }
0x57: {  	[sflag:s31] =	ssyncadd.s32 $0xFFFFFC00  }
0x58: {  	_ =	swait.ge [sflag:s31], $0x400  }
0x59: {  	[sflag:s31] =	ssyncset.done $0x0  }
0x5a: {  	[sflag:s31] =	ssyncadd.s32 $0xFFFFFC00  }
0x5b: {  	_ =	swait.ge [sflag:s30], $0x800  }
0x5c: {  	[sflag:s30] =	ssyncset.done $0x0  }
0x5d: {  	[sflag:s30] =	ssyncadd.s32 $0xFFFFF800  }
0x5e: {  	_ =	swait.ge [sflag:s30], $0x800  }
0x5f: {  	[sflag:s30] =	ssyncset.done $0x0  }
0x60: {  	[sflag:s30] =	ssyncadd.s32 $0xFFFFF800  }
0x61: {  	_ =	swait.ge [sflag:s31], $0x400  }
0x62: {  	[sflag:s31] =	ssyncset.done $0x0  }
0x63: {  	[sflag:s31] =	ssyncadd.s32 $0xFFFFFC00  }
0x64: {  	_ =	swait.ge [sflag:s31], $0x400  }
0x65: {  	[sflag:s31] =	ssyncset.done $0x0  }
0x66: {  	[sflag:s31] =	ssyncadd.s32 $0xFFFFFC00  }
0x67: {  	_ =	swait.ge [sflag:s30], $0x800  }
0x68: {  	[sflag:s30] =	ssyncset.done $0x0  }
0x69: {  	[sflag:s30] =	ssyncadd.s32 $0xFFFFF800  }
0x6a: {  	_ =	swait.ge [sflag:s30], $0x800  }
0x6b: {  	[sflag:s30] =	ssyncset.done $0x0  }
0x6c: {  	[sflag:s30] =	ssyncadd.s32 $0xFFFFF800  }
0x6d: {  	_ =	swait.ge [sflag:s31], $0x400  }
0x6e: {  	[sflag:s31] =	ssyncset.done $0x0  }
0x6f: {  	[sflag:s31] =	ssyncadd.s32 $0xFFFFFC00  }
0x70: {  	_ =	swait.ge [sflag:s31], $0x400  }
0x71: {  	s20 =	simm.s32 $0x6800;
	[sflag:s31] =	ssyncset.done $0x0  }
0x72: {  	s22 =	simm.s32 $0x6A00;
	s23 =	simm.s32 $0x0;
	[sflag:s31] =	ssyncadd.s32 $0xFFFFFC00  }
.LBB2_4:
0x73: {  	v1 =	vld [tilespmem:s17+$0x0];
	_ =	sdelay $0x2  }
0x74: {  	v2 =	vmov s23  }
0x75: {  	v2 =	vshll.u32 v2, $0x3  }
0x76: {  	v2 =	vor.u32 v0, v2;
	v1 =	vand.u32 $0x7, v1  }
0x77: {  	v1 =	vor.u32 v2, v1;
	_ =	sdelay $0x4  }
0x78: {  	v1 =	vld.idx.msk [tilespmem:v1+s19+$0x0], $0xffff;
	_ =	sdelay $0x4  }
0x79: {  	[tilespmem:s20+$0x0] =	vst v1  }
0x7a: {  	v1 =	vld [tilespmem:s18+$0x0];
	_ =	sdelay $0x4  }
0x7b: {  	v1 =	vand.u32 $0x7, v1  }
0x7c: {  	v1 =	vor.u32 v2, v1;
	_ =	sdelay $0x4  }
0x7d: {  	p0 =	sne.s32 s23, $0x1F0;
	v1 =	vld.idx.msk [tilespmem:v1+s21+$0x0], $0xffff  }
.Ltmp1:
0x7e: {  	_ = 	snop;
	(pc) =	sbr.rel @p0 .LBB2_4-.Ltmp1, $3  }
0x7f: {  	_ =	sdelay $0x1  }
0x80: {  	s17 =	sadd.s32 $0x10, s17;
	s23 =	sadd.s32 $0x10, s23  }
0x81: {  	s20 =	sadd.s32 $0x10, s20;
	s18 =	sadd.s32 $0x10, s18;
	[tilespmem:s22+$0x0] =	vst v1;
	s22 =	sadd.s32 $0x10, s22  }
0x82: {  	s17 =	simm.s32 $0x0  }
0x83: {  	[hbm4b:s9+s17] =	stream.linear.scatter [tilespmem:s0], [sflag:$0x3], $0x200, $0x38;
	[tilespmem:$0x6C10] =	vst v63  }
0x84: {  	_ =	swait.ge [sflag:s13], $0x200  }
0x85: {  	[sflag:s13] =	ssyncset.done $0x0  }
0x86: {  	[sflag:s13] =	ssyncadd.s32 $0xFFFFFE00  }
0x87: {  	[hbm4b:s10+s17] =	stream.linear.scatter [tilespmem:s2], [sflag:$0x3], $0x200, $0x38;
	[tilespmem:$0x6C10] =	vst v63  }
0x88: {  	_ =	swait.ge [sflag:s13], $0x200  }
0x89: {  	[sflag:s13] =	ssyncset.done $0x0  }
0x8a: {  	s18 =	simm.s32 $0x0;
	[sflag:s13] =	ssyncadd.s32 $0xFFFFFE00  }
0x8b: {  	v2 =	vld [tilespmem:s18+$0x800]  }
0x8c: {  	v1 =	vimm.f32 $0.0e+00;
	s17 =	simm.s32 $0x40;
	v3 =	vld [tilespmem:s18+$0x2800]  }
.LBB2_6:
0x8d: {  	_ = 	snop  }
0x8e: {  	p0 =	sne.s32 s17, $0x7FC0  }
.Ltmp2:
0x8f: {  	_ = 	snop;
	(pc) =	sbr.rel @p0 .LBB2_6-.Ltmp2, $4  }
0x90: {  	_ = 	snop  }
0x91: {  	s18 =	sshra.s32 s17, $0x2;
	v4 =	vmul.f32 v3, v2  }
0x92: {  	v2 =	vld [tilespmem:s18+$0x800]  }
0x93: {  	s17 =	sadd.s32 $0x40, s17;
	v3 =	vld [tilespmem:s18+$0x2800];
	v1 =	vadd.f32 v4, v1  }
0x94: {  	_ =	sdelay $0x3  }
0x95: {  	v2 =	vmul.f32 v3, v2;
	_ =	sdelay $0x1  }
0x96: {  	s16 =	sadd.s32 $0x1, s16;
	v1 =	vadd.f32 v2, v1  }
0x97: {  	p0 =	sne.s32 s16, s12  }
.Ltmp3:
0x98: {  	[tilespmem:$0x6C00] =	vst v1;
	(pc) =	sbr.rel @p0 .LBB2_1-.Ltmp3, $4  }
0x99: {  	[hbm4b:s11+s1] =	stream.linear.scatter [tilespmem:s14], [sflag:$0x3], $0x10, $0x38;
	[tilespmem:$0x6C10] =	vst v63  }
0x9a: {  	_ =	swait.ge [sflag:s13], $0x10  }
0x9b: {  	[sflag:s13] =	ssyncset.done $0x0  }
0x9c: {  	[sflag:s13] =	ssyncadd.s32 $0xFFFFFFF0  }
0x9d: {  	_ =	sfence.sel $0x180000  }
0x9e: {  	[bflag:$0x0] =	sbarrier.arrive $0xFFFF  }
0x9f: {  	_ =	strace $0x90000047  }
0xa0: {  	s0 =	stileid.u32;
	[bflag:$0x2] =	sbarrier.arrive $0xFFFF  }
0xa1: {  	p0 =	sne.s32 s0, $0x0;
	s0 =	rddreg [dreg:$0x2]  }
0xa2: {  	s0 =	sadd.s32 @!p0 $0x100000, s0  }
0xa3: {  	[sflag:s0] =	ssyncadd.tile.s32 @!p0 $0x1;
	_ =	shalt  }
.Lfunc_end2:
_tile_overlayer_lowered:
.L_overlay_start_2:
0xa4: {  	(tag) =	ssettag $0x2  }
0xa5: {  	s0 =	rddreg [dreg:$0x0];
	s2 =	stileid.u32  }
0xa6: {  	s1 =	rddreg [dreg:$0x1];
	p0 =	sne.s32 s2, $0x0  }
0xa7: {  	s3 =	rddreg [dreg:$0x2];
	[bflag:$0x3] =	sbarrier.arrive $0xFFFF;
	s2 =	simm.s32 @!p0 $0x1C03  }
0xa8: {  	[timem:s3], [sflag:s2] =	dma.local @!p0 [hbm:s0], s1  }
0xa9: {  	s0 =	simm.s32 @!p0 $0x3  }
0xaa: {  	_ =	swait.ge @!p0 [sflag:s0], s1  }
0xab: {  	s1 =	ssub.s32 @!p0 $0x0, s1;
	[sflag:s0] =	ssyncset.done @!p0 $0x0  }
0xac: {  	[sflag:s0] =	ssyncadd.s32 @!p0 s1  }
0xad: {  	[bflag:$0x3] =	sbarrier.arrive $0xFFFF  }
0xae: {  	_ =	shalt  }

</sc_bundles>
